<compile_context>
chip_gen: v7x
topology: tpu7x:2x2x1
jax: 0.10.2.dev20260603
libtpu: 0.0.44.dev20260713+nightly
codegen_flags: <defaults>
</compile_context>

<pallas_src>
import functools

import jax
import jax.numpy as jnp
import numpy as np
from jax import lax
from jax.experimental import pallas as pl
from jax.experimental.pallas import tpu as pltpu
from jax.experimental.pallas import tpu_sc as plsc

_BATCH = 4096
_NBINS = 256
_NQ = 8192
_XMIN = 0.0
_XMAX = 1.0
_BW = (_XMAX - _XMIN) / _NBINS
_EPS2 = float(np.spacing(np.finfo(np.float32).eps))

_NC = 2
_NS = 16
_NW = _NC * _NS
_L = 16
_ROWS_PER_W = _BATCH // _NW


def _prep_body(a_ref, t_ref, out_ref):
    a = a_ref[...]
    t = t_ref[...]
    col = lax.broadcasted_iota(jnp.int32, a.shape, 1).astype(jnp.float32)
    centers = (2.0 * col + 1.0) * (0.5 * _BW)
    xa = jnp.clip(centers + jnp.tanh(a) * (0.5 * _BW), _XMIN, _XMAX)
    xa_r = jnp.concatenate([xa[:, 1:], xa[:, -1:]], axis=1)
    t_r = jnp.concatenate([t[:, 1:], t[:, -1:]], axis=1)
    dx = xa_r - xa
    df = t_r - t
    dx0 = jnp.abs(dx) <= _EPS2
    slope = jnp.where(dx0, 0.0, df / jnp.where(dx0, 1.0, dx))
    inter = jnp.where(dx0, t, t - slope * xa)
    th = jnp.where(col == 0.0, -1.0, jnp.where(col == float(_NBINS - 1), 2.0, xa))
    out_ref[...] = jnp.concatenate([th, slope, inter], axis=1)


_PREP_ROWS = 512


def _prep(a, t):
    return pl.pallas_call(
        _prep_body,
        grid=(_BATCH // _PREP_ROWS,),
        in_specs=[
            pl.BlockSpec((_PREP_ROWS, _NBINS), lambda i: (i, 0)),
            pl.BlockSpec((_PREP_ROWS, _NBINS), lambda i: (i, 0)),
        ],
        out_specs=pl.BlockSpec((_PREP_ROWS, 3 * _NBINS), lambda i: (i, 0)),
        out_shape=jax.ShapeDtypeStruct((_BATCH, 3 * _NBINS), jnp.float32),
    )(a, t)


_RPC = 2
_CHUNKS = _ROWS_PER_W // _RPC


def _compute_chunk(tab_v, x_v, y_v):
    @plsc.parallel_loop(0, _RPC * _NQ, step=_L, unroll=8)
    def q_body(k):
        base = (k // _NQ) * (3 * _NBINS)
        off = pl.multiple_of(k, _L)
        xv = x_v[pl.ds(off, _L)]
        j = (xv * float(_NBINS)).astype(jnp.int32) + base
        th = plsc.load_gather(tab_v, [j])
        iL = jnp.where(xv < th, j - 1, j)
        s = plsc.load_gather(tab_v, [iL + _NBINS])
        b = plsc.load_gather(tab_v, [iL + 2 * _NBINS])
        y_v[pl.ds(off, _L)] = b + s * xv


def _interp_body(tab_hbm, x_hbm, out_hbm,
                 tab0, tab1, x0, x1, y0, y1,
                 isem0, isem1, osem0, osem1):
    wid = lax.axis_index("s") * _NC + lax.axis_index("c")
    row0 = wid * _ROWS_PER_W
    tabs, xs, ys = (tab0, tab1), (x0, x1), (y0, y1)
    isems, osems = (isem0, isem1), (osem0, osem1)

    def start_in(c, b):
        r = row0 + c * _RPC
        for i in range(_RPC):
            pltpu.async_copy(
                tab_hbm.at[r + i],
                tabs[b].at[pl.ds(i * 3 * _NBINS, 3 * _NBINS)],
                isems[b],
            )
            pltpu.async_copy(
                x_hbm.at[r + i], xs[b].at[pl.ds(i * _NQ, _NQ)], isems[b]
            )

    def wait_in(c, b):
        r = row0 + c * _RPC
        for i in range(_RPC):
            pltpu.make_async_copy(
                tab_hbm.at[r + i],
                tabs[b].at[pl.ds(i * 3 * _NBINS, 3 * _NBINS)],
                isems[b],
            ).wait()
            pltpu.make_async_copy(
                x_hbm.at[r + i], xs[b].at[pl.ds(i * _NQ, _NQ)], isems[b]
            ).wait()

    def start_out(c, b):
        r = row0 + c * _RPC
        for i in range(_RPC):
            pltpu.async_copy(
                ys[b].at[pl.ds(i * _NQ, _NQ)], out_hbm.at[r + i], osems[b]
            )

    def wait_out(c, b):
        r = row0 + c * _RPC
        for i in range(_RPC):
            pltpu.make_async_copy(
                ys[b].at[pl.ds(i * _NQ, _NQ)], out_hbm.at[r + i], osems[b]
            ).wait()

    start_in(0, 0)
    start_in(1, 1)

    @pl.loop(0, _CHUNKS, step=2)
    def _chunk_loop(c):
        for b in range(2):
            cb = c + b
            wait_in(cb, b)

            @pl.when(cb >= 2)
            def _wait_out():
                wait_out(cb - 2, b)

            _compute_chunk(tabs[b], xs[b], ys[b])
            start_out(cb, b)

            @pl.when(cb < _CHUNKS - 2)
            def _prefetch():
                start_in(cb + 2, b)

    for b in range(2):
        wait_out(_CHUNKS - 2 + b, b)


@functools.partial(jax.jit, donate_argnums=())
def _interp(tables, x):
    mesh = plsc.VectorSubcoreMesh(
        core_axis_name="c", subcore_axis_name="s", num_cores=_NC, num_subcores=_NS
    )
    return pl.kernel(
        _interp_body,
        out_type=jax.ShapeDtypeStruct((_BATCH, _NQ), jnp.float32),
        mesh=mesh,
        scratch_types=[
            pltpu.VMEM((_RPC * 3 * _NBINS,), jnp.float32),
            pltpu.VMEM((_RPC * 3 * _NBINS,), jnp.float32),
            pltpu.VMEM((_RPC * _NQ,), jnp.float32),
            pltpu.VMEM((_RPC * _NQ,), jnp.float32),
            pltpu.VMEM((_RPC * _NQ,), jnp.float32),
            pltpu.VMEM((_RPC * _NQ,), jnp.float32),
            pltpu.SemaphoreType.DMA,
            pltpu.SemaphoreType.DMA,
            pltpu.SemaphoreType.DMA,
            pltpu.SemaphoreType.DMA,
        ],
        compiler_params=pltpu.CompilerParams(needs_layout_passes=False),
    )(tables, x)


def kernel(inputs, x):
    a = inputs[..., 0]
    t = inputs[..., 1]
    tables = _prep(a, t)
    return _interp(tables, x)

# --- scband reference (transcript-rebuilt; emitter-appended) ---
"""Pipeline reference for scband-piecewise-linear-64561948393782 (READ-ONLY COPY).

The authoritative reference and input builder live on the scoring server;
editing this copy changes nothing except your own understanding.
"""

import jax, jax.numpy as jnp
import numpy as np

COARSE_BINS = 256
XMIN = 0.0
XMAX = 1.0

def setup_inputs(seed: int = 0) -> dict:
    key = jax.random.key(seed)
    k1, k2 = jax.random.split(key)
    inputs = jax.random.normal(k1, (4096, COARSE_BINS, 2), dtype=jnp.float32)
    x = jax.random.uniform(k2, (4096, 8192), dtype=jnp.float32)
    return {"inputs": inputs, "x": x}

def reference(inputs, x):
    batch_size, num_coarse, num_params = inputs.shape
    assert num_params == 2
    bin_width = (XMAX - XMIN) / COARSE_BINS
    centers = jnp.linspace(XMIN + bin_width / 2, XMAX - bin_width / 2, COARSE_BINS)
    centers = jnp.broadcast_to(centers, (batch_size, COARSE_BINS))
    x_abs = centers + jnp.tanh(inputs[..., 0]) * 0.5 * bin_width
    x_abs = jnp.clip(x_abs, XMIN, XMAX)
    t_values = inputs[..., 1]
    return jax.vmap(lambda x_inte, x_c, y_c: jnp.interp(x_inte, x_c, y_c, left='extrapolate', right='extrapolate'))(x, x_abs, t_values)

if __name__ == "__main__":
    import jax
    _d = setup_inputs()
    print(jax.jit(kernel)(*tuple(_d.values())))

</pallas_src>

<mosaic_0001>
#map = affine_map<(d0, d1) -> (0, 0)>
module attributes {stable_mosaic.version = 14 : i64} {
  func.func @_interp_body(%arg0: i32, %arg1: i32, %arg2: memref<4096x768xf32, #tpu.memory_space<hbm>>, %arg3: memref<4096x8192xf32, #tpu.memory_space<hbm>>, %arg4: memref<4096x8192xf32, #tpu.memory_space<hbm>>, %arg5: memref<1536xf32, #tpu.memory_space<vmem>>, %arg6: memref<1536xf32, #tpu.memory_space<vmem>>, %arg7: memref<16384xf32, #tpu.memory_space<vmem>>, %arg8: memref<16384xf32, #tpu.memory_space<vmem>>, %arg9: memref<16384xf32, #tpu.memory_space<vmem>>, %arg10: memref<16384xf32, #tpu.memory_space<vmem>>, %arg11: memref<!tpu.dma_semaphore, #tpu.memory_space<semaphore_mem>>, %arg12: memref<!tpu.dma_semaphore, #tpu.memory_space<semaphore_mem>>, %arg13: memref<!tpu.dma_semaphore, #tpu.memory_space<semaphore_mem>>, %arg14: memref<!tpu.dma_semaphore, #tpu.memory_space<semaphore_mem>>) attributes {dimension_semantics = [#tpu.dimension_semantics<core_parallel>, #tpu.dimension_semantics<subcore_parallel>], iteration_bounds = array<i64: 2, 16>, scalar_prefetch = 0 : i64, scratch_operands = 10 : i64, tpu.core_type = #tpu.core_type<sc_vector_subcore>, window_params = [{transform_indices = #map}, {transform_indices = #map}, {transform_indices = #map}]} {
    %mul3A = arith.constant 2 : i32
    %mul3A_0 = arith.muli %arg1, %mul3A : i32
    %add3A = arith.addi %mul3A_0, %arg0 : i32
    %mul3A_1 = arith.constant 128 : i32
    %mul3A_2 = arith.muli %add3A, %mul3A_1 : i32
    %add3A_3 = arith.constant 0 : i32
    %add3A_4 = arith.addi %mul3A_2, %add3A_3 : i32
    %add3A_5 = arith.constant 0 : i32
    %add3A_6 = arith.addi %add3A_4, %add3A_5 : i32
    %dma_start3A = arith.constant 0 : i32
    %dma_start3A_7 = tpu.memref_slice %arg5[%dma_start3A] : memref<1536xf32, #tpu.memory_space<vmem>> -> memref<768xf32, #tpu.memory_space<vmem>>
    %dma_start3A_8 = arith.constant 0 : i32
    %dma_start3A_9 = tpu.memref_slice %arg2[%add3A_6, %dma_start3A_8] : memref<4096x768xf32, #tpu.memory_space<hbm>> -> memref<1x768xf32, #tpu.memory_space<hbm>>
    %dma_start3A_10 = tpu.memref_squeeze %dma_start3A_9 : memref<1x768xf32, #tpu.memory_space<hbm>> -> memref<768xf32, #tpu.memory_space<hbm>>
    %dma_start3A_11 = arith.constant 0 : i32
    %dma_start3A_12 = tpu.memref_slice %arg5[%dma_start3A_11] : memref<1536xf32, #tpu.memory_space<vmem>> -> memref<768xf32, #tpu.memory_space<vmem>>
    %dma_start3A_13 = arith.constant 0 : i32
    %dma_start3A_14 = tpu.memref_slice %arg2[%add3A_6, %dma_start3A_13] : memref<4096x768xf32, #tpu.memory_space<hbm>> -> memref<1x768xf32, #tpu.memory_space<hbm>>
    %dma_start3A_15 = tpu.memref_squeeze %dma_start3A_14 : memref<1x768xf32, #tpu.memory_space<hbm>> -> memref<768xf32, #tpu.memory_space<hbm>>
    tpu.enqueue_dma source(%dma_start3A_15 : memref<768xf32, #tpu.memory_space<hbm>>) target(%dma_start3A_12 : memref<768xf32, #tpu.memory_space<vmem>>) target_semaphore(%arg11 : memref<!tpu.dma_semaphore, #tpu.memory_space<semaphore_mem>>)
    %add3A_16 = arith.constant 0 : i32
    %add3A_17 = arith.addi %add3A_4, %add3A_16 : i32
    %dma_start3A_18 = arith.constant 0 : i32
    %dma_start3A_19 = tpu.memref_slice %arg7[%dma_start3A_18] : memref<16384xf32, #tpu.memory_space<vmem>> -> memref<8192xf32, #tpu.memory_space<vmem>>
    %dma_start3A_20 = arith.constant 0 : i32
    %dma_start3A_21 = tpu.memref_slice %arg3[%add3A_17, %dma_start3A_20] : memref<4096x8192xf32, #tpu.memory_space<hbm>> -> memref<1x8192xf32, #tpu.memory_space<hbm>>
    %dma_start3A_22 = tpu.memref_squeeze %dma_start3A_21 : memref<1x8192xf32, #tpu.memory_space<hbm>> -> memref<8192xf32, #tpu.memory_space<hbm>>
    %dma_start3A_23 = arith.constant 0 : i32
    %dma_start3A_24 = tpu.memref_slice %arg7[%dma_start3A_23] : memref<16384xf32, #tpu.memory_space<vmem>> -> memref<8192xf32, #tpu.memory_space<vmem>>
    %dma_start3A_25 = arith.constant 0 : i32
    %dma_start3A_26 = tpu.memref_slice %arg3[%add3A_17, %dma_start3A_25] : memref<4096x8192xf32, #tpu.memory_space<hbm>> -> memref<1x8192xf32, #tpu.memory_space<hbm>>
    %dma_start3A_27 = tpu.memref_squeeze %dma_start3A_26 : memref<1x8192xf32, #tpu.memory_space<hbm>> -> memref<8192xf32, #tpu.memory_space<hbm>>
    tpu.enqueue_dma source(%dma_start3A_27 : memref<8192xf32, #tpu.memory_space<hbm>>) target(%dma_start3A_24 : memref<8192xf32, #tpu.memory_space<vmem>>) target_semaphore(%arg11 : memref<!tpu.dma_semaphore, #tpu.memory_space<semaphore_mem>>)
    %add3A_28 = arith.constant 1 : i32
    %add3A_29 = arith.addi %add3A_4, %add3A_28 : i32
    %dma_start3A_30 = arith.constant 768 : i32
    %dma_start3A_31 = tpu.memref_slice %arg5[%dma_start3A_30] : memref<1536xf32, #tpu.memory_space<vmem>> -> memref<768xf32, #tpu.memory_space<vmem>>
    %dma_start3A_32 = arith.constant 0 : i32
    %dma_start3A_33 = tpu.memref_slice %arg2[%add3A_29, %dma_start3A_32] : memref<4096x768xf32, #tpu.memory_space<hbm>> -> memref<1x768xf32, #tpu.memory_space<hbm>>
    %dma_start3A_34 = tpu.memref_squeeze %dma_start3A_33 : memref<1x768xf32, #tpu.memory_space<hbm>> -> memref<768xf32, #tpu.memory_space<hbm>>
    %dma_start3A_35 = arith.constant 768 : i32
    %dma_start3A_36 = tpu.memref_slice %arg5[%dma_start3A_35] : memref<1536xf32, #tpu.memory_space<vmem>> -> memref<768xf32, #tpu.memory_space<vmem>>
    %dma_start3A_37 = arith.constant 0 : i32
    %dma_start3A_38 = tpu.memref_slice %arg2[%add3A_29, %dma_start3A_37] : memref<4096x768xf32, #tpu.memory_space<hbm>> -> memref<1x768xf32, #tpu.memory_space<hbm>>
    %dma_start3A_39 = tpu.memref_squeeze %dma_start3A_38 : memref<1x768xf32, #tpu.memory_space<hbm>> -> memref<768xf32, #tpu.memory_space<hbm>>
    tpu.enqueue_dma source(%dma_start3A_39 : memref<768xf32, #tpu.memory_space<hbm>>) target(%dma_start3A_36 : memref<768xf32, #tpu.memory_space<vmem>>) target_semaphore(%arg11 : memref<!tpu.dma_semaphore, #tpu.memory_space<semaphore_mem>>)
    %add3A_40 = arith.constant 1 : i32
    %add3A_41 = arith.addi %add3A_4, %add3A_40 : i32
    %dma_start3A_42 = arith.constant 8192 : i32
    %dma_start3A_43 = tpu.memref_slice %arg7[%dma_start3A_42] : memref<16384xf32, #tpu.memory_space<vmem>> -> memref<8192xf32, #tpu.memory_space<vmem>>
    %dma_start3A_44 = arith.constant 0 : i32
    %dma_start3A_45 = tpu.memref_slice %arg3[%add3A_41, %dma_start3A_44] : memref<4096x8192xf32, #tpu.memory_space<hbm>> -> memref<1x8192xf32, #tpu.memory_space<hbm>>
    %dma_start3A_46 = tpu.memref_squeeze %dma_start3A_45 : memref<1x8192xf32, #tpu.memory_space<hbm>> -> memref<8192xf32, #tpu.memory_space<hbm>>
    %dma_start3A_47 = arith.constant 8192 : i32
    %dma_start3A_48 = tpu.memref_slice %arg7[%dma_start3A_47] : memref<16384xf32, #tpu.memory_space<vmem>> -> memref<8192xf32, #tpu.memory_space<vmem>>
    %dma_start3A_49 = arith.constant 0 : i32
    %dma_start3A_50 = tpu.memref_slice %arg3[%add3A_41, %dma_start3A_49] : memref<4096x8192xf32, #tpu.memory_space<hbm>> -> memref<1x8192xf32, #tpu.memory_space<hbm>>
    %dma_start3A_51 = tpu.memref_squeeze %dma_start3A_50 : memref<1x8192xf32, #tpu.memory_space<hbm>> -> memref<8192xf32, #tpu.memory_space<hbm>>
    tpu.enqueue_dma source(%dma_start3A_51 : memref<8192xf32, #tpu.memory_space<hbm>>) target(%dma_start3A_48 : memref<8192xf32, #tpu.memory_space<vmem>>) target_semaphore(%arg11 : memref<!tpu.dma_semaphore, #tpu.memory_space<semaphore_mem>>)
    %add3A_52 = arith.constant 2 : i32
    %add3A_53 = arith.addi %mul3A_2, %add3A_52 : i32
    %add3A_54 = arith.constant 0 : i32
    %add3A_55 = arith.addi %add3A_53, %add3A_54 : i32
    %dma_start3A_56 = arith.constant 0 : i32
    %dma_start3A_57 = tpu.memref_slice %arg6[%dma_start3A_56] : memref<1536xf32, #tpu.memory_space<vmem>> -> memref<768xf32, #tpu.memory_space<vmem>>
    %dma_start3A_58 = arith.constant 0 : i32
    %dma_start3A_59 = tpu.memref_slice %arg2[%add3A_55, %dma_start3A_58] : memref<4096x768xf32, #tpu.memory_space<hbm>> -> memref<1x768xf32, #tpu.memory_space<hbm>>
    %dma_start3A_60 = tpu.memref_squeeze %dma_start3A_59 : memref<1x768xf32, #tpu.memory_space<hbm>> -> memref<768xf32, #tpu.memory_space<hbm>>
    %dma_start3A_61 = arith.constant 0 : i32
    %dma_start3A_62 = tpu.memref_slice %arg6[%dma_start3A_61] : memref<1536xf32, #tpu.memory_space<vmem>> -> memref<768xf32, #tpu.memory_space<vmem>>
    %dma_start3A_63 = arith.constant 0 : i32
    %dma_start3A_64 = tpu.memref_slice %arg2[%add3A_55, %dma_start3A_63] : memref<4096x768xf32, #tpu.memory_space<hbm>> -> memref<1x768xf32, #tpu.memory_space<hbm>>
    %dma_start3A_65 = tpu.memref_squeeze %dma_start3A_64 : memref<1x768xf32, #tpu.memory_space<hbm>> -> memref<768xf32, #tpu.memory_space<hbm>>
    tpu.enqueue_dma source(%dma_start3A_65 : memref<768xf32, #tpu.memory_space<hbm>>) target(%dma_start3A_62 : memref<768xf32, #tpu.memory_space<vmem>>) target_semaphore(%arg12 : memref<!tpu.dma_semaphore, #tpu.memory_space<semaphore_mem>>)
    %add3A_66 = arith.constant 0 : i32
    %add3A_67 = arith.addi %add3A_53, %add3A_66 : i32
    %dma_start3A_68 = arith.constant 0 : i32
    %dma_start3A_69 = tpu.memref_slice %arg8[%dma_start3A_68] : memref<16384xf32, #tpu.memory_space<vmem>> -> memref<8192xf32, #tpu.memory_space<vmem>>
    %dma_start3A_70 = arith.constant 0 : i32
    %dma_start3A_71 = tpu.memref_slice %arg3[%add3A_67, %dma_start3A_70] : memref<4096x8192xf32, #tpu.memory_space<hbm>> -> memref<1x8192xf32, #tpu.memory_space<hbm>>
    %dma_start3A_72 = tpu.memref_squeeze %dma_start3A_71 : memref<1x8192xf32, #tpu.memory_space<hbm>> -> memref<8192xf32, #tpu.memory_space<hbm>>
    %dma_start3A_73 = arith.constant 0 : i32
    %dma_start3A_74 = tpu.memref_slice %arg8[%dma_start3A_73] : memref<16384xf32, #tpu.memory_space<vmem>> -> memref<8192xf32, #tpu.memory_space<vmem>>
    %dma_start3A_75 = arith.constant 0 : i32
    %dma_start3A_76 = tpu.memref_slice %arg3[%add3A_67, %dma_start3A_75] : memref<4096x8192xf32, #tpu.memory_space<hbm>> -> memref<1x8192xf32, #tpu.memory_space<hbm>>
    %dma_start3A_77 = tpu.memref_squeeze %dma_start3A_76 : memref<1x8192xf32, #tpu.memory_space<hbm>> -> memref<8192xf32, #tpu.memory_space<hbm>>
    tpu.enqueue_dma source(%dma_start3A_77 : memref<8192xf32, #tpu.memory_space<hbm>>) target(%dma_start3A_74 : memref<8192xf32, #tpu.memory_space<vmem>>) target_semaphore(%arg12 : memref<!tpu.dma_semaphore, #tpu.memory_space<semaphore_mem>>)
    %add3A_78 = arith.constant 1 : i32
    %add3A_79 = arith.addi %add3A_53, %add3A_78 : i32
    %dma_start3A_80 = arith.constant 768 : i32
    %dma_start3A_81 = tpu.memref_slice %arg6[%dma_start3A_80] : memref<1536xf32, #tpu.memory_space<vmem>> -> memref<768xf32, #tpu.memory_space<vmem>>
    %dma_start3A_82 = arith.constant 0 : i32
    %dma_start3A_83 = tpu.memref_slice %arg2[%add3A_79, %dma_start3A_82] : memref<4096x768xf32, #tpu.memory_space<hbm>> -> memref<1x768xf32, #tpu.memory_space<hbm>>
    %dma_start3A_84 = tpu.memref_squeeze %dma_start3A_83 : memref<1x768xf32, #tpu.memory_space<hbm>> -> memref<768xf32, #tpu.memory_space<hbm>>
    %dma_start3A_85 = arith.constant 768 : i32
    %dma_start3A_86 = tpu.memref_slice %arg6[%dma_start3A_85] : memref<1536xf32, #tpu.memory_space<vmem>> -> memref<768xf32, #tpu.memory_space<vmem>>
    %dma_start3A_87 = arith.constant 0 : i32
    %dma_start3A_88 = tpu.memref_slice %arg2[%add3A_79, %dma_start3A_87] : memref<4096x768xf32, #tpu.memory_space<hbm>> -> memref<1x768xf32, #tpu.memory_space<hbm>>
    %dma_start3A_89 = tpu.memref_squeeze %dma_start3A_88 : memref<1x768xf32, #tpu.memory_space<hbm>> -> memref<768xf32, #tpu.memory_space<hbm>>
    tpu.enqueue_dma source(%dma_start3A_89 : memref<768xf32, #tpu.memory_space<hbm>>) target(%dma_start3A_86 : memref<768xf32, #tpu.memory_space<vmem>>) target_semaphore(%arg12 : memref<!tpu.dma_semaphore, #tpu.memory_space<semaphore_mem>>)
    %add3A_90 = arith.constant 1 : i32
    %add3A_91 = arith.addi %add3A_53, %add3A_90 : i32
    %dma_start3A_92 = arith.constant 8192 : i32
    %dma_start3A_93 = tpu.memref_slice %arg8[%dma_start3A_92] : memref<16384xf32, #tpu.memory_space<vmem>> -> memref<8192xf32, #tpu.memory_space<vmem>>
    %dma_start3A_94 = arith.constant 0 : i32
    %dma_start3A_95 = tpu.memref_slice %arg3[%add3A_91, %dma_start3A_94] : memref<4096x8192xf32, #tpu.memory_space<hbm>> -> memref<1x8192xf32, #tpu.memory_space<hbm>>
    %dma_start3A_96 = tpu.memref_squeeze %dma_start3A_95 : memref<1x8192xf32, #tpu.memory_space<hbm>> -> memref<8192xf32, #tpu.memory_space<hbm>>
    %dma_start3A_97 = arith.constant 8192 : i32
    %dma_start3A_98 = tpu.memref_slice %arg8[%dma_start3A_97] : memref<16384xf32, #tpu.memory_space<vmem>> -> memref<8192xf32, #tpu.memory_space<vmem>>
    %dma_start3A_99 = arith.constant 0 : i32
    %dma_start3A_100 = tpu.memref_slice %arg3[%add3A_91, %dma_start3A_99] : memref<4096x8192xf32, #tpu.memory_space<hbm>> -> memref<1x8192xf32, #tpu.memory_space<hbm>>
    %dma_start3A_101 = tpu.memref_squeeze %dma_start3A_100 : memref<1x8192xf32, #tpu.memory_space<hbm>> -> memref<8192xf32, #tpu.memory_space<hbm>>
    tpu.enqueue_dma source(%dma_start3A_101 : memref<8192xf32, #tpu.memory_space<hbm>>) target(%dma_start3A_98 : memref<8192xf32, #tpu.memory_space<vmem>>) target_semaphore(%arg12 : memref<!tpu.dma_semaphore, #tpu.memory_space<semaphore_mem>>)
    %scan3A = arith.constant 0 : i32
    %scan3A_102 = arith.constant 32 : i32
    %scan3A_103 = arith.addi %scan3A, %scan3A_102 : i32
    %scan3A_104 = arith.constant 1 : i32
    scf.for %scan3A_157 = %scan3A to %scan3A_103 step %scan3A_104  : i32 {
      %mul3A_158 = arith.constant 2 : i32
      %mul3A_159 = arith.muli %scan3A_157, %mul3A_158 : i32
      %add3A_160 = arith.constant 0 : i32
      %add3A_161 = arith.addi %add3A_160, %mul3A_159 : i32
      %add3A_162 = arith.constant 0 : i32
      %add3A_163 = arith.addi %add3A_161, %add3A_162 : i32
      %mul3A_164 = arith.constant 2 : i32
      %mul3A_165 = arith.muli %add3A_163, %mul3A_164 : i32
      %add3A_166 = arith.addi %mul3A_2, %mul3A_165 : i32
      %add3A_167 = arith.constant 0 : i32
      %add3A_168 = arith.addi %add3A_166, %add3A_167 : i32
      %dma_wait3A_169 = arith.constant 0 : i32
      %dma_wait3A_170 = tpu.memref_slice %arg5[%dma_wait3A_169] : memref<1536xf32, #tpu.memory_space<vmem>> -> memref<768xf32, #tpu.memory_space<vmem>>
      %dma_wait3A_171 = arith.constant 0 : i32
      %dma_wait3A_172 = tpu.memref_slice %arg2[%add3A_168, %dma_wait3A_171] : memref<4096x768xf32, #tpu.memory_space<hbm>> -> memref<1x768xf32, #tpu.memory_space<hbm>>
      %dma_wait3A_173 = tpu.memref_squeeze %dma_wait3A_172 : memref<1x768xf32, #tpu.memory_space<hbm>> -> memref<768xf32, #tpu.memory_space<hbm>>
      %dma_wait3A_174 = arith.constant 0 : i32
      %dma_wait3A_175 = tpu.memref_slice %arg5[%dma_wait3A_174] : memref<1536xf32, #tpu.memory_space<vmem>> -> memref<768xf32, #tpu.memory_space<vmem>>
      %dma_wait3A_176 = arith.constant 0 : i32
      %dma_wait3A_177 = tpu.memref_slice %arg2[%add3A_168, %dma_wait3A_176] : memref<4096x768xf32, #tpu.memory_space<hbm>> -> memref<1x768xf32, #tpu.memory_space<hbm>>
      %dma_wait3A_178 = tpu.memref_squeeze %dma_wait3A_177 : memref<1x768xf32, #tpu.memory_space<hbm>> -> memref<768xf32, #tpu.memory_space<hbm>>
      tpu.wait_dma2 semaphore(%arg11 : memref<!tpu.dma_semaphore, #tpu.memory_space<semaphore_mem>>) src(%dma_wait3A_178 : memref<768xf32, #tpu.memory_space<hbm>>) dst(%dma_wait3A_175 : memref<768xf32, #tpu.memory_space<vmem>>)
      %add3A_179 = arith.constant 0 : i32
      %add3A_180 = arith.addi %add3A_166, %add3A_179 : i32
      %dma_wait3A_181 = arith.constant 0 : i32
      %dma_wait3A_182 = tpu.memref_slice %arg7[%dma_wait3A_181] : memref<16384xf32, #tpu.memory_space<vmem>> -> memref<8192xf32, #tpu.memory_space<vmem>>
      %dma_wait3A_183 = arith.constant 0 : i32
      %dma_wait3A_184 = tpu.memref_slice %arg3[%add3A_180, %dma_wait3A_183] : memref<4096x8192xf32, #tpu.memory_space<hbm>> -> memref<1x8192xf32, #tpu.memory_space<hbm>>
      %dma_wait3A_185 = tpu.memref_squeeze %dma_wait3A_184 : memref<1x8192xf32, #tpu.memory_space<hbm>> -> memref<8192xf32, #tpu.memory_space<hbm>>
      %dma_wait3A_186 = arith.constant 0 : i32
      %dma_wait3A_187 = tpu.memref_slice %arg7[%dma_wait3A_186] : memref<16384xf32, #tpu.memory_space<vmem>> -> memref<8192xf32, #tpu.memory_space<vmem>>
      %dma_wait3A_188 = arith.constant 0 : i32
      %dma_wait3A_189 = tpu.memref_slice %arg3[%add3A_180, %dma_wait3A_188] : memref<4096x8192xf32, #tpu.memory_space<hbm>> -> memref<1x8192xf32, #tpu.memory_space<hbm>>
      %dma_wait3A_190 = tpu.memref_squeeze %dma_wait3A_189 : memref<1x8192xf32, #tpu.memory_space<hbm>> -> memref<8192xf32, #tpu.memory_space<hbm>>
      tpu.wait_dma2 semaphore(%arg11 : memref<!tpu.dma_semaphore, #tpu.memory_space<semaphore_mem>>) src(%dma_wait3A_190 : memref<8192xf32, #tpu.memory_space<hbm>>) dst(%dma_wait3A_187 : memref<8192xf32, #tpu.memory_space<vmem>>)
      %add3A_191 = arith.constant 1 : i32
      %add3A_192 = arith.addi %add3A_166, %add3A_191 : i32
      %dma_wait3A_193 = arith.constant 768 : i32
      %dma_wait3A_194 = tpu.memref_slice %arg5[%dma_wait3A_193] : memref<1536xf32, #tpu.memory_space<vmem>> -> memref<768xf32, #tpu.memory_space<vmem>>
      %dma_wait3A_195 = arith.constant 0 : i32
      %dma_wait3A_196 = tpu.memref_slice %arg2[%add3A_192, %dma_wait3A_195] : memref<4096x768xf32, #tpu.memory_space<hbm>> -> memref<1x768xf32, #tpu.memory_space<hbm>>
      %dma_wait3A_197 = tpu.memref_squeeze %dma_wait3A_196 : memref<1x768xf32, #tpu.memory_space<hbm>> -> memref<768xf32, #tpu.memory_space<hbm>>
      %dma_wait3A_198 = arith.constant 768 : i32
      %dma_wait3A_199 = tpu.memref_slice %arg5[%dma_wait3A_198] : memref<1536xf32, #tpu.memory_space<vmem>> -> memref<768xf32, #tpu.memory_space<vmem>>
      %dma_wait3A_200 = arith.constant 0 : i32
      %dma_wait3A_201 = tpu.memref_slice %arg2[%add3A_192, %dma_wait3A_200] : memref<4096x768xf32, #tpu.memory_space<hbm>> -> memref<1x768xf32, #tpu.memory_space<hbm>>
      %dma_wait3A_202 = tpu.memref_squeeze %dma_wait3A_201 : memref<1x768xf32, #tpu.memory_space<hbm>> -> memref<768xf32, #tpu.memory_space<hbm>>
      tpu.wait_dma2 semaphore(%arg11 : memref<!tpu.dma_semaphore, #tpu.memory_space<semaphore_mem>>) src(%dma_wait3A_202 : memref<768xf32, #tpu.memory_space<hbm>>) dst(%dma_wait3A_199 : memref<768xf32, #tpu.memory_space<vmem>>)
      %add3A_203 = arith.constant 1 : i32
      %add3A_204 = arith.addi %add3A_166, %add3A_203 : i32
      %dma_wait3A_205 = arith.constant 8192 : i32
      %dma_wait3A_206 = tpu.memref_slice %arg7[%dma_wait3A_205] : memref<16384xf32, #tpu.memory_space<vmem>> -> memref<8192xf32, #tpu.memory_space<vmem>>
      %dma_wait3A_207 = arith.constant 0 : i32
      %dma_wait3A_208 = tpu.memref_slice %arg3[%add3A_204, %dma_wait3A_207] : memref<4096x8192xf32, #tpu.memory_space<hbm>> -> memref<1x8192xf32, #tpu.memory_space<hbm>>
      %dma_wait3A_209 = tpu.memref_squeeze %dma_wait3A_208 : memref<1x8192xf32, #tpu.memory_space<hbm>> -> memref<8192xf32, #tpu.memory_space<hbm>>
      %dma_wait3A_210 = arith.constant 8192 : i32
      %dma_wait3A_211 = tpu.memref_slice %arg7[%dma_wait3A_210] : memref<16384xf32, #tpu.memory_space<vmem>> -> memref<8192xf32, #tpu.memory_space<vmem>>
      %dma_wait3A_212 = arith.constant 0 : i32
      %dma_wait3A_213 = tpu.memref_slice %arg3[%add3A_204, %dma_wait3A_212] : memref<4096x8192xf32, #tpu.memory_space<hbm>> -> memref<1x8192xf32, #tpu.memory_space<hbm>>
      %dma_wait3A_214 = tpu.memref_squeeze %dma_wait3A_213 : memref<1x8192xf32, #tpu.memory_space<hbm>> -> memref<8192xf32, #tpu.memory_space<hbm>>
      tpu.wait_dma2 semaphore(%arg11 : memref<!tpu.dma_semaphore, #tpu.memory_space<semaphore_mem>>) src(%dma_wait3A_214 : memref<8192xf32, #tpu.memory_space<hbm>>) dst(%dma_wait3A_211 : memref<8192xf32, #tpu.memory_space<vmem>>)
      %ge3A = arith.constant 2 : i32
      %ge3A_215 = arith.cmpi sge, %add3A_163, %ge3A : i32
      %convert_element_type3A = arith.extui %ge3A_215 : i1 to i32
      %cond3A = arith.constant 0 : i32
      %cond3A_216 = arith.cmpi ne, %convert_element_type3A, %cond3A : i32
      scf.if %cond3A_216 {
        %sub3A = arith.constant 2 : i32
        %sub3A_343 = arith.subi %add3A_163, %sub3A : i32
        %mul3A_344 = arith.constant 2 : i32
        %mul3A_345 = arith.muli %sub3A_343, %mul3A_344 : i32
        %add3A_346 = arith.addi %mul3A_2, %mul3A_345 : i32
        %add3A_347 = arith.constant 0 : i32
        %add3A_348 = arith.addi %add3A_346, %add3A_347 : i32
        %dma_wait3A_349 = arith.constant 0 : i32
        %dma_wait3A_350 = tpu.memref_slice %arg9[%dma_wait3A_349] : memref<16384xf32, #tpu.memory_space<vmem>> -> memref<8192xf32, #tpu.memory_space<vmem>>
        %dma_wait3A_351 = arith.constant 0 : i32
        %dma_wait3A_352 = tpu.memref_slice %arg4[%add3A_348, %dma_wait3A_351] : memref<4096x8192xf32, #tpu.memory_space<hbm>> -> memref<1x8192xf32, #tpu.memory_space<hbm>>
        %dma_wait3A_353 = tpu.memref_squeeze %dma_wait3A_352 : memref<1x8192xf32, #tpu.memory_space<hbm>> -> memref<8192xf32, #tpu.memory_space<hbm>>
        %dma_wait3A_354 = arith.constant 0 : i32
        %dma_wait3A_355 = tpu.memref_slice %arg4[%add3A_348, %dma_wait3A_354] : memref<4096x8192xf32, #tpu.memory_space<hbm>> -> memref<1x8192xf32, #tpu.memory_space<hbm>>
        %dma_wait3A_356 = tpu.memref_squeeze %dma_wait3A_355 : memref<1x8192xf32, #tpu.memory_space<hbm>> -> memref<8192xf32, #tpu.memory_space<hbm>>
        %dma_wait3A_357 = arith.constant 0 : i32
        %dma_wait3A_358 = tpu.memref_slice %arg9[%dma_wait3A_357] : memref<16384xf32, #tpu.memory_space<vmem>> -> memref<8192xf32, #tpu.memory_space<vmem>>
        tpu.wait_dma2 semaphore(%arg13 : memref<!tpu.dma_semaphore, #tpu.memory_space<semaphore_mem>>) src(%dma_wait3A_358 : memref<8192xf32, #tpu.memory_space<vmem>>) dst(%dma_wait3A_356 : memref<8192xf32, #tpu.memory_space<hbm>>)
        %add3A_359 = arith.constant 1 : i32
        %add3A_360 = arith.addi %add3A_346, %add3A_359 : i32
        %dma_wait3A_361 = arith.constant 8192 : i32
        %dma_wait3A_362 = tpu.memref_slice %arg9[%dma_wait3A_361] : memref<16384xf32, #tpu.memory_space<vmem>> -> memref<8192xf32, #tpu.memory_space<vmem>>
        %dma_wait3A_363 = arith.constant 0 : i32
        %dma_wait3A_364 = tpu.memref_slice %arg4[%add3A_360, %dma_wait3A_363] : memref<4096x8192xf32, #tpu.memory_space<hbm>> -> memref<1x8192xf32, #tpu.memory_space<hbm>>
        %dma_wait3A_365 = tpu.memref_squeeze %dma_wait3A_364 : memref<1x8192xf32, #tpu.memory_space<hbm>> -> memref<8192xf32, #tpu.memory_space<hbm>>
        %dma_wait3A_366 = arith.constant 0 : i32
        %dma_wait3A_367 = tpu.memref_slice %arg4[%add3A_360, %dma_wait3A_366] : memref<4096x8192xf32, #tpu.memory_space<hbm>> -> memref<1x8192xf32, #tpu.memory_space<hbm>>
        %dma_wait3A_368 = tpu.memref_squeeze %dma_wait3A_367 : memref<1x8192xf32, #tpu.memory_space<hbm>> -> memref<8192xf32, #tpu.memory_space<hbm>>
        %dma_wait3A_369 = arith.constant 8192 : i32
        %dma_wait3A_370 = tpu.memref_slice %arg9[%dma_wait3A_369] : memref<16384xf32, #tpu.memory_space<vmem>> -> memref<8192xf32, #tpu.memory_space<vmem>>
        tpu.wait_dma2 semaphore(%arg13 : memref<!tpu.dma_semaphore, #tpu.memory_space<semaphore_mem>>) src(%dma_wait3A_370 : memref<8192xf32, #tpu.memory_space<vmem>>) dst(%dma_wait3A_368 : memref<8192xf32, #tpu.memory_space<hbm>>)
      } else {
      }
      %parallel_loop3A = arith.constant 0 : i32
      %parallel_loop3A_217 = arith.constant 16384 : i32
      %parallel_loop3A_218 = arith.constant 16 : i32
      scf.for %parallel_loop3A_343 = %parallel_loop3A to %parallel_loop3A_217 step %parallel_loop3A_218  : i32 {
        %parallel_loop3A_344 = arith.constant 8192 : i32
        %parallel_loop3A_345 = arith.divsi %parallel_loop3A_343, %parallel_loop3A_344 : i32
        %parallel_loop3A_346 = arith.constant 0 : i32
        %parallel_loop3A_347 = arith.cmpi sgt, %parallel_loop3A_343, %parallel_loop3A_346 : i32
        %parallel_loop3A_348 = arith.extui %parallel_loop3A_347 : i1 to i32
        %parallel_loop3A_349 = arith.constant 0 : i32
        %parallel_loop3A_350 = arith.cmpi slt, %parallel_loop3A_343, %parallel_loop3A_349 : i32
        %parallel_loop3A_351 = arith.extui %parallel_loop3A_350 : i1 to i32
        %parallel_loop3A_352 = arith.subi %parallel_loop3A_348, %parallel_loop3A_351 : i32
        %parallel_loop3A_353 = arith.constant 0 : i32
        %parallel_loop3A_354 = arith.cmpi sgt, %parallel_loop3A_344, %parallel_loop3A_353 : i32
        %parallel_loop3A_355 = arith.extui %parallel_loop3A_354 : i1 to i32
        %parallel_loop3A_356 = arith.constant 0 : i32
        %parallel_loop3A_357 = arith.cmpi slt, %parallel_loop3A_344, %parallel_loop3A_356 : i32
        %parallel_loop3A_358 = arith.extui %parallel_loop3A_357 : i1 to i32
        %parallel_loop3A_359 = arith.subi %parallel_loop3A_355, %parallel_loop3A_358 : i32
        %parallel_loop3A_360 = arith.cmpi ne, %parallel_loop3A_352, %parallel_loop3A_359 : i32
        %parallel_loop3A_361 = arith.remsi %parallel_loop3A_343, %parallel_loop3A_344 : i32
        %parallel_loop3A_362 = arith.constant 0 : i32
        %parallel_loop3A_363 = arith.cmpi ne, %parallel_loop3A_361, %parallel_loop3A_362 : i32
        %parallel_loop3A_364 = arith.andi %parallel_loop3A_360, %parallel_loop3A_363 : i1
        %parallel_loop3A_365 = arith.constant 1 : i32
        %parallel_loop3A_366 = arith.subi %parallel_loop3A_345, %parallel_loop3A_365 : i32
        %parallel_loop3A_367 = arith.select %parallel_loop3A_364, %parallel_loop3A_366, %parallel_loop3A_345 : i32
        %parallel_loop3A_368 = arith.constant 768 : i32
        %parallel_loop3A_369 = arith.muli %parallel_loop3A_367, %parallel_loop3A_368 : i32
        %parallel_loop3A_370 = tpu.assume_multiple %parallel_loop3A_343, 16 : i32
        %parallel_loop3A_371 = arith.index_cast %parallel_loop3A_370 : i32 to index
        %parallel_loop3A_372 = tpu.vector_load %arg7[%parallel_loop3A_371] {strides = array<i32>} : memref<16384xf32, #tpu.memory_space<vmem>>, vector<16xf32>,
        %parallel_loop3A_373 = arith.constant 2.560000e+02 : f32
        %parallel_loop3A_374 = vector.broadcast %parallel_loop3A_373 : f32 to vector<16xf32>
        %parallel_loop3A_375 = arith.mulf %parallel_loop3A_372, %parallel_loop3A_374 : vector<16xf32>
        %parallel_loop3A_376 = arith.fptosi %parallel_loop3A_375 : vector<16xf32> to vector<16xi32>
        %parallel_loop3A_377 = vector.broadcast %parallel_loop3A_369 : i32 to vector<16xi32>
        %parallel_loop3A_378 = arith.addi %parallel_loop3A_376, %parallel_loop3A_377 : vector<16xi32>
        %parallel_loop3A_379 = tpu.vector_load_idx %arg5[%parallel_loop3A_378] : memref<1536xf32, #tpu.memory_space<vmem>>[vector<16xi32>], vector<16xf32>,
        %parallel_loop3A_380 = arith.cmpf olt, %parallel_loop3A_372, %parallel_loop3A_379 : vector<16xf32>
        %parallel_loop3A_381 = arith.constant 1 : i32
        %parallel_loop3A_382 = vector.broadcast %parallel_loop3A_381 : i32 to vector<16xi32>
        %parallel_loop3A_383 = arith.subi %parallel_loop3A_378, %parallel_loop3A_382 : vector<16xi32>
        %parallel_loop3A_384 = arith.select %parallel_loop3A_380, %parallel_loop3A_383, %parallel_loop3A_378 : vector<16xi1>, vector<16xi32>
        %parallel_loop3A_385 = arith.constant 256 : i32
        %parallel_loop3A_386 = vector.broadcast %parallel_loop3A_385 : i32 to vector<16xi32>
        %parallel_loop3A_387 = arith.addi %parallel_loop3A_384, %parallel_loop3A_386 : vector<16xi32>
        %parallel_loop3A_388 = tpu.vector_load_idx %arg5[%parallel_loop3A_387] : memref<1536xf32, #tpu.memory_space<vmem>>[vector<16xi32>], vector<16xf32>,
        %parallel_loop3A_389 = arith.constant 512 : i32
        %parallel_loop3A_390 = vector.broadcast %parallel_loop3A_389 : i32 to vector<16xi32>
        %parallel_loop3A_391 = arith.addi %parallel_loop3A_384, %parallel_loop3A_390 : vector<16xi32>
        %parallel_loop3A_392 = tpu.vector_load_idx %arg5[%parallel_loop3A_391] : memref<1536xf32, #tpu.memory_space<vmem>>[vector<16xi32>], vector<16xf32>,
        %parallel_loop3A_393 = arith.mulf %parallel_loop3A_388, %parallel_loop3A_372 : vector<16xf32>
        %parallel_loop3A_394 = arith.addf %parallel_loop3A_392, %parallel_loop3A_393 : vector<16xf32>
        %parallel_loop3A_395 = arith.index_cast %parallel_loop3A_370 : i32 to index
        %parallel_loop3A_396 = tpu.vector_load %arg9[%parallel_loop3A_395] {strides = array<i32>} : memref<16384xf32, #tpu.memory_space<vmem>>, vector<16xf32>,
        tpu.vector_store %arg9[%parallel_loop3A_395], %parallel_loop3A_394 {strides = array<i32>} : memref<16384xf32, #tpu.memory_space<vmem>>, vector<16xf32>,
      } {sc.loop_unroll_factor = 8 : i64, sc.parallel_access}
      %mul3A_219 = arith.constant 2 : i32
      %mul3A_220 = arith.muli %add3A_163, %mul3A_219 : i32
      %add3A_221 = arith.addi %mul3A_2, %mul3A_220 : i32
      %add3A_222 = arith.constant 0 : i32
      %add3A_223 = arith.addi %add3A_221, %add3A_222 : i32
      %dma_start3A_224 = arith.constant 0 : i32
      %dma_start3A_225 = tpu.memref_slice %arg9[%dma_start3A_224] : memref<16384xf32, #tpu.memory_space<vmem>> -> memref<8192xf32, #tpu.memory_space<vmem>>
      %dma_start3A_226 = arith.constant 0 : i32
      %dma_start3A_227 = tpu.memref_slice %arg4[%add3A_223, %dma_start3A_226] : memref<4096x8192xf32, #tpu.memory_space<hbm>> -> memref<1x8192xf32, #tpu.memory_space<hbm>>
      %dma_start3A_228 = tpu.memref_squeeze %dma_start3A_227 : memref<1x8192xf32, #tpu.memory_space<hbm>> -> memref<8192xf32, #tpu.memory_space<hbm>>
      %dma_start3A_229 = arith.constant 0 : i32
      %dma_start3A_230 = tpu.memref_slice %arg4[%add3A_223, %dma_start3A_229] : memref<4096x8192xf32, #tpu.memory_space<hbm>> -> memref<1x8192xf32, #tpu.memory_space<hbm>>
      %dma_start3A_231 = tpu.memref_squeeze %dma_start3A_230 : memref<1x8192xf32, #tpu.memory_space<hbm>> -> memref<8192xf32, #tpu.memory_space<hbm>>
      %dma_start3A_232 = arith.constant 0 : i32
      %dma_start3A_233 = tpu.memref_slice %arg9[%dma_start3A_232] : memref<16384xf32, #tpu.memory_space<vmem>> -> memref<8192xf32, #tpu.memory_space<vmem>>
      tpu.enqueue_dma source(%dma_start3A_233 : memref<8192xf32, #tpu.memory_space<vmem>>) target(%dma_start3A_231 : memref<8192xf32, #tpu.memory_space<hbm>>) target_semaphore(%arg13 : memref<!tpu.dma_semaphore, #tpu.memory_space<semaphore_mem>>)
      %add3A_234 = arith.constant 1 : i32
      %add3A_235 = arith.addi %add3A_221, %add3A_234 : i32
      %dma_start3A_236 = arith.constant 8192 : i32
      %dma_start3A_237 = tpu.memref_slice %arg9[%dma_start3A_236] : memref<16384xf32, #tpu.memory_space<vmem>> -> memref<8192xf32, #tpu.memory_space<vmem>>
      %dma_start3A_238 = arith.constant 0 : i32
      %dma_start3A_239 = tpu.memref_slice %arg4[%add3A_235, %dma_start3A_238] : memref<4096x8192xf32, #tpu.memory_space<hbm>> -> memref<1x8192xf32, #tpu.memory_space<hbm>>
      %dma_start3A_240 = tpu.memref_squeeze %dma_start3A_239 : memref<1x8192xf32, #tpu.memory_space<hbm>> -> memref<8192xf32, #tpu.memory_space<hbm>>
      %dma_start3A_241 = arith.constant 0 : i32
      %dma_start3A_242 = tpu.memref_slice %arg4[%add3A_235, %dma_start3A_241] : memref<4096x8192xf32, #tpu.memory_space<hbm>> -> memref<1x8192xf32, #tpu.memory_space<hbm>>
      %dma_start3A_243 = tpu.memref_squeeze %dma_start3A_242 : memref<1x8192xf32, #tpu.memory_space<hbm>> -> memref<8192xf32, #tpu.memory_space<hbm>>
      %dma_start3A_244 = arith.constant 8192 : i32
      %dma_start3A_245 = tpu.memref_slice %arg9[%dma_start3A_244] : memref<16384xf32, #tpu.memory_space<vmem>> -> memref<8192xf32, #tpu.memory_space<vmem>>
      tpu.enqueue_dma source(%dma_start3A_245 : memref<8192xf32, #tpu.memory_space<vmem>>) target(%dma_start3A_243 : memref<8192xf32, #tpu.memory_space<hbm>>) target_semaphore(%arg13 : memref<!tpu.dma_semaphore, #tpu.memory_space<semaphore_mem>>)
      %lt3A = arith.constant 62 : i32
      %lt3A_246 = arith.cmpi slt, %add3A_163, %lt3A : i32
      %convert_element_type3A_247 = arith.extui %lt3A_246 : i1 to i32
      %cond3A_248 = arith.constant 0 : i32
      %cond3A_249 = arith.cmpi ne, %convert_element_type3A_247, %cond3A_248 : i32
      scf.if %cond3A_249 {
        %add3A_343 = arith.constant 2 : i32
        %add3A_344 = arith.addi %add3A_163, %add3A_343 : i32
        %mul3A_345 = arith.constant 2 : i32
        %mul3A_346 = arith.muli %add3A_344, %mul3A_345 : i32
        %add3A_347 = arith.addi %mul3A_2, %mul3A_346 : i32
        %add3A_348 = arith.constant 0 : i32
        %add3A_349 = arith.addi %add3A_347, %add3A_348 : i32
        %dma_start3A_350 = arith.constant 0 : i32
        %dma_start3A_351 = tpu.memref_slice %arg5[%dma_start3A_350] : memref<1536xf32, #tpu.memory_space<vmem>> -> memref<768xf32, #tpu.memory_space<vmem>>
        %dma_start3A_352 = arith.constant 0 : i32
        %dma_start3A_353 = tpu.memref_slice %arg2[%add3A_349, %dma_start3A_352] : memref<4096x768xf32, #tpu.memory_space<hbm>> -> memref<1x768xf32, #tpu.memory_space<hbm>>
        %dma_start3A_354 = tpu.memref_squeeze %dma_start3A_353 : memref<1x768xf32, #tpu.memory_space<hbm>> -> memref<768xf32, #tpu.memory_space<hbm>>
        %dma_start3A_355 = arith.constant 0 : i32
        %dma_start3A_356 = tpu.memref_slice %arg5[%dma_start3A_355] : memref<1536xf32, #tpu.memory_space<vmem>> -> memref<768xf32, #tpu.memory_space<vmem>>
        %dma_start3A_357 = arith.constant 0 : i32
        %dma_start3A_358 = tpu.memref_slice %arg2[%add3A_349, %dma_start3A_357] : memref<4096x768xf32, #tpu.memory_space<hbm>> -> memref<1x768xf32, #tpu.memory_space<hbm>>
        %dma_start3A_359 = tpu.memref_squeeze %dma_start3A_358 : memref<1x768xf32, #tpu.memory_space<hbm>> -> memref<768xf32, #tpu.memory_space<hbm>>
        tpu.enqueue_dma source(%dma_start3A_359 : memref<768xf32, #tpu.memory_space<hbm>>) target(%dma_start3A_356 : memref<768xf32, #tpu.memory_space<vmem>>) target_semaphore(%arg11 : memref<!tpu.dma_semaphore, #tpu.memory_space<semaphore_mem>>)
        %add3A_360 = arith.constant 0 : i32
        %add3A_361 = arith.addi %add3A_347, %add3A_360 : i32
        %dma_start3A_362 = arith.constant 0 : i32
        %dma_start3A_363 = tpu.memref_slice %arg7[%dma_start3A_362] : memref<16384xf32, #tpu.memory_space<vmem>> -> memref<8192xf32, #tpu.memory_space<vmem>>
        %dma_start3A_364 = arith.constant 0 : i32
        %dma_start3A_365 = tpu.memref_slice %arg3[%add3A_361, %dma_start3A_364] : memref<4096x8192xf32, #tpu.memory_space<hbm>> -> memref<1x8192xf32, #tpu.memory_space<hbm>>
        %dma_start3A_366 = tpu.memref_squeeze %dma_start3A_365 : memref<1x8192xf32, #tpu.memory_space<hbm>> -> memref<8192xf32, #tpu.memory_space<hbm>>
        %dma_start3A_367 = arith.constant 0 : i32
        %dma_start3A_368 = tpu.memref_slice %arg7[%dma_start3A_367] : memref<16384xf32, #tpu.memory_space<vmem>> -> memref<8192xf32, #tpu.memory_space<vmem>>
        %dma_start3A_369 = arith.constant 0 : i32
        %dma_start3A_370 = tpu.memref_slice %arg3[%add3A_361, %dma_start3A_369] : memref<4096x8192xf32, #tpu.memory_space<hbm>> -> memref<1x8192xf32, #tpu.memory_space<hbm>>
        %dma_start3A_371 = tpu.memref_squeeze %dma_start3A_370 : memref<1x8192xf32, #tpu.memory_space<hbm>> -> memref<8192xf32, #tpu.memory_space<hbm>>
        tpu.enqueue_dma source(%dma_start3A_371 : memref<8192xf32, #tpu.memory_space<hbm>>) target(%dma_start3A_368 : memref<8192xf32, #tpu.memory_space<vmem>>) target_semaphore(%arg11 : memref<!tpu.dma_semaphore, #tpu.memory_space<semaphore_mem>>)
        %add3A_372 = arith.constant 1 : i32
        %add3A_373 = arith.addi %add3A_347, %add3A_372 : i32
        %dma_start3A_374 = arith.constant 768 : i32
        %dma_start3A_375 = tpu.memref_slice %arg5[%dma_start3A_374] : memref<1536xf32, #tpu.memory_space<vmem>> -> memref<768xf32, #tpu.memory_space<vmem>>
        %dma_start3A_376 = arith.constant 0 : i32
        %dma_start3A_377 = tpu.memref_slice %arg2[%add3A_373, %dma_start3A_376] : memref<4096x768xf32, #tpu.memory_space<hbm>> -> memref<1x768xf32, #tpu.memory_space<hbm>>
        %dma_start3A_378 = tpu.memref_squeeze %dma_start3A_377 : memref<1x768xf32, #tpu.memory_space<hbm>> -> memref<768xf32, #tpu.memory_space<hbm>>
        %dma_start3A_379 = arith.constant 768 : i32
        %dma_start3A_380 = tpu.memref_slice %arg5[%dma_start3A_379] : memref<1536xf32, #tpu.memory_space<vmem>> -> memref<768xf32, #tpu.memory_space<vmem>>
        %dma_start3A_381 = arith.constant 0 : i32
        %dma_start3A_382 = tpu.memref_slice %arg2[%add3A_373, %dma_start3A_381] : memref<4096x768xf32, #tpu.memory_space<hbm>> -> memref<1x768xf32, #tpu.memory_space<hbm>>
        %dma_start3A_383 = tpu.memref_squeeze %dma_start3A_382 : memref<1x768xf32, #tpu.memory_space<hbm>> -> memref<768xf32, #tpu.memory_space<hbm>>
        tpu.enqueue_dma source(%dma_start3A_383 : memref<768xf32, #tpu.memory_space<hbm>>) target(%dma_start3A_380 : memref<768xf32, #tpu.memory_space<vmem>>) target_semaphore(%arg11 : memref<!tpu.dma_semaphore, #tpu.memory_space<semaphore_mem>>)
        %add3A_384 = arith.constant 1 : i32
        %add3A_385 = arith.addi %add3A_347, %add3A_384 : i32
        %dma_start3A_386 = arith.constant 8192 : i32
        %dma_start3A_387 = tpu.memref_slice %arg7[%dma_start3A_386] : memref<16384xf32, #tpu.memory_space<vmem>> -> memref<8192xf32, #tpu.memory_space<vmem>>
        %dma_start3A_388 = arith.constant 0 : i32
        %dma_start3A_389 = tpu.memref_slice %arg3[%add3A_385, %dma_start3A_388] : memref<4096x8192xf32, #tpu.memory_space<hbm>> -> memref<1x8192xf32, #tpu.memory_space<hbm>>
        %dma_start3A_390 = tpu.memref_squeeze %dma_start3A_389 : memref<1x8192xf32, #tpu.memory_space<hbm>> -> memref<8192xf32, #tpu.memory_space<hbm>>
        %dma_start3A_391 = arith.constant 8192 : i32
        %dma_start3A_392 = tpu.memref_slice %arg7[%dma_start3A_391] : memref<16384xf32, #tpu.memory_space<vmem>> -> memref<8192xf32, #tpu.memory_space<vmem>>
        %dma_start3A_393 = arith.constant 0 : i32
        %dma_start3A_394 = tpu.memref_slice %arg3[%add3A_385, %dma_start3A_393] : memref<4096x8192xf32, #tpu.memory_space<hbm>> -> memref<1x8192xf32, #tpu.memory_space<hbm>>
        %dma_start3A_395 = tpu.memref_squeeze %dma_start3A_394 : memref<1x8192xf32, #tpu.memory_space<hbm>> -> memref<8192xf32, #tpu.memory_space<hbm>>
        tpu.enqueue_dma source(%dma_start3A_395 : memref<8192xf32, #tpu.memory_space<hbm>>) target(%dma_start3A_392 : memref<8192xf32, #tpu.memory_space<vmem>>) target_semaphore(%arg11 : memref<!tpu.dma_semaphore, #tpu.memory_space<semaphore_mem>>)
      } else {
      }
      %add3A_250 = arith.constant 1 : i32
      %add3A_251 = arith.addi %add3A_161, %add3A_250 : i32
      %mul3A_252 = arith.constant 2 : i32
      %mul3A_253 = arith.muli %add3A_251, %mul3A_252 : i32
      %add3A_254 = arith.addi %mul3A_2, %mul3A_253 : i32
      %add3A_255 = arith.constant 0 : i32
      %add3A_256 = arith.addi %add3A_254, %add3A_255 : i32
      %dma_wait3A_257 = arith.constant 0 : i32
      %dma_wait3A_258 = tpu.memref_slice %arg6[%dma_wait3A_257] : memref<1536xf32, #tpu.memory_space<vmem>> -> memref<768xf32, #tpu.memory_space<vmem>>
      %dma_wait3A_259 = arith.constant 0 : i32
      %dma_wait3A_260 = tpu.memref_slice %arg2[%add3A_256, %dma_wait3A_259] : memref<4096x768xf32, #tpu.memory_space<hbm>> -> memref<1x768xf32, #tpu.memory_space<hbm>>
      %dma_wait3A_261 = tpu.memref_squeeze %dma_wait3A_260 : memref<1x768xf32, #tpu.memory_space<hbm>> -> memref<768xf32, #tpu.memory_space<hbm>>
      %dma_wait3A_262 = arith.constant 0 : i32
      %dma_wait3A_263 = tpu.memref_slice %arg6[%dma_wait3A_262] : memref<1536xf32, #tpu.memory_space<vmem>> -> memref<768xf32, #tpu.memory_space<vmem>>
      %dma_wait3A_264 = arith.constant 0 : i32
      %dma_wait3A_265 = tpu.memref_slice %arg2[%add3A_256, %dma_wait3A_264] : memref<4096x768xf32, #tpu.memory_space<hbm>> -> memref<1x768xf32, #tpu.memory_space<hbm>>
      %dma_wait3A_266 = tpu.memref_squeeze %dma_wait3A_265 : memref<1x768xf32, #tpu.memory_space<hbm>> -> memref<768xf32, #tpu.memory_space<hbm>>
      tpu.wait_dma2 semaphore(%arg12 : memref<!tpu.dma_semaphore, #tpu.memory_space<semaphore_mem>>) src(%dma_wait3A_266 : memref<768xf32, #tpu.memory_space<hbm>>) dst(%dma_wait3A_263 : memref<768xf32, #tpu.memory_space<vmem>>)
      %add3A_267 = arith.constant 0 : i32
      %add3A_268 = arith.addi %add3A_254, %add3A_267 : i32
      %dma_wait3A_269 = arith.constant 0 : i32
      %dma_wait3A_270 = tpu.memref_slice %arg8[%dma_wait3A_269] : memref<16384xf32, #tpu.memory_space<vmem>> -> memref<8192xf32, #tpu.memory_space<vmem>>
      %dma_wait3A_271 = arith.constant 0 : i32
      %dma_wait3A_272 = tpu.memref_slice %arg3[%add3A_268, %dma_wait3A_271] : memref<4096x8192xf32, #tpu.memory_space<hbm>> -> memref<1x8192xf32, #tpu.memory_space<hbm>>
      %dma_wait3A_273 = tpu.memref_squeeze %dma_wait3A_272 : memref<1x8192xf32, #tpu.memory_space<hbm>> -> memref<8192xf32, #tpu.memory_space<hbm>>
      %dma_wait3A_274 = arith.constant 0 : i32
      %dma_wait3A_275 = tpu.memref_slice %arg8[%dma_wait3A_274] : memref<16384xf32, #tpu.memory_space<vmem>> -> memref<8192xf32, #tpu.memory_space<vmem>>
      %dma_wait3A_276 = arith.constant 0 : i32
      %dma_wait3A_277 = tpu.memref_slice %arg3[%add3A_268, %dma_wait3A_276] : memref<4096x8192xf32, #tpu.memory_space<hbm>> -> memref<1x8192xf32, #tpu.memory_space<hbm>>
      %dma_wait3A_278 = tpu.memref_squeeze %dma_wait3A_277 : memref<1x8192xf32, #tpu.memory_space<hbm>> -> memref<8192xf32, #tpu.memory_space<hbm>>
      tpu.wait_dma2 semaphore(%arg12 : memref<!tpu.dma_semaphore, #tpu.memory_space<semaphore_mem>>) src(%dma_wait3A_278 : memref<8192xf32, #tpu.memory_space<hbm>>) dst(%dma_wait3A_275 : memref<8192xf32, #tpu.memory_space<vmem>>)
      %add3A_279 = arith.constant 1 : i32
      %add3A_280 = arith.addi %add3A_254, %add3A_279 : i32
      %dma_wait3A_281 = arith.constant 768 : i32
      %dma_wait3A_282 = tpu.memref_slice %arg6[%dma_wait3A_281] : memref<1536xf32, #tpu.memory_space<vmem>> -> memref<768xf32, #tpu.memory_space<vmem>>
      %dma_wait3A_283 = arith.constant 0 : i32
      %dma_wait3A_284 = tpu.memref_slice %arg2[%add3A_280, %dma_wait3A_283] : memref<4096x768xf32, #tpu.memory_space<hbm>> -> memref<1x768xf32, #tpu.memory_space<hbm>>
      %dma_wait3A_285 = tpu.memref_squeeze %dma_wait3A_284 : memref<1x768xf32, #tpu.memory_space<hbm>> -> memref<768xf32, #tpu.memory_space<hbm>>
      %dma_wait3A_286 = arith.constant 768 : i32
      %dma_wait3A_287 = tpu.memref_slice %arg6[%dma_wait3A_286] : memref<1536xf32, #tpu.memory_space<vmem>> -> memref<768xf32, #tpu.memory_space<vmem>>
      %dma_wait3A_288 = arith.constant 0 : i32
      %dma_wait3A_289 = tpu.memref_slice %arg2[%add3A_280, %dma_wait3A_288] : memref<4096x768xf32, #tpu.memory_space<hbm>> -> memref<1x768xf32, #tpu.memory_space<hbm>>
      %dma_wait3A_290 = tpu.memref_squeeze %dma_wait3A_289 : memref<1x768xf32, #tpu.memory_space<hbm>> -> memref<768xf32, #tpu.memory_space<hbm>>
      tpu.wait_dma2 semaphore(%arg12 : memref<!tpu.dma_semaphore, #tpu.memory_space<semaphore_mem>>) src(%dma_wait3A_290 : memref<768xf32, #tpu.memory_space<hbm>>) dst(%dma_wait3A_287 : memref<768xf32, #tpu.memory_space<vmem>>)
      %add3A_291 = arith.constant 1 : i32
      %add3A_292 = arith.addi %add3A_254, %add3A_291 : i32
      %dma_wait3A_293 = arith.constant 8192 : i32
      %dma_wait3A_294 = tpu.memref_slice %arg8[%dma_wait3A_293] : memref<16384xf32, #tpu.memory_space<vmem>> -> memref<8192xf32, #tpu.memory_space<vmem>>
      %dma_wait3A_295 = arith.constant 0 : i32
      %dma_wait3A_296 = tpu.memref_slice %arg3[%add3A_292, %dma_wait3A_295] : memref<4096x8192xf32, #tpu.memory_space<hbm>> -> memref<1x8192xf32, #tpu.memory_space<hbm>>
      %dma_wait3A_297 = tpu.memref_squeeze %dma_wait3A_296 : memref<1x8192xf32, #tpu.memory_space<hbm>> -> memref<8192xf32, #tpu.memory_space<hbm>>
      %dma_wait3A_298 = arith.constant 8192 : i32
      %dma_wait3A_299 = tpu.memref_slice %arg8[%dma_wait3A_298] : memref<16384xf32, #tpu.memory_space<vmem>> -> memref<8192xf32, #tpu.memory_space<vmem>>
      %dma_wait3A_300 = arith.constant 0 : i32
      %dma_wait3A_301 = tpu.memref_slice %arg3[%add3A_292, %dma_wait3A_300] : memref<4096x8192xf32, #tpu.memory_space<hbm>> -> memref<1x8192xf32, #tpu.memory_space<hbm>>
      %dma_wait3A_302 = tpu.memref_squeeze %dma_wait3A_301 : memref<1x8192xf32, #tpu.memory_space<hbm>> -> memref<8192xf32, #tpu.memory_space<hbm>>
      tpu.wait_dma2 semaphore(%arg12 : memref<!tpu.dma_semaphore, #tpu.memory_space<semaphore_mem>>) src(%dma_wait3A_302 : memref<8192xf32, #tpu.memory_space<hbm>>) dst(%dma_wait3A_299 : memref<8192xf32, #tpu.memory_space<vmem>>)
      %ge3A_303 = arith.constant 2 : i32
      %ge3A_304 = arith.cmpi sge, %add3A_251, %ge3A_303 : i32
      %convert_element_type3A_305 = arith.extui %ge3A_304 : i1 to i32
      %cond3A_306 = arith.constant 0 : i32
      %cond3A_307 = arith.cmpi ne, %convert_element_type3A_305, %cond3A_306 : i32
      scf.if %cond3A_307 {
        %sub3A = arith.constant 2 : i32
        %sub3A_343 = arith.subi %add3A_251, %sub3A : i32
        %mul3A_344 = arith.constant 2 : i32
        %mul3A_345 = arith.muli %sub3A_343, %mul3A_344 : i32
        %add3A_346 = arith.addi %mul3A_2, %mul3A_345 : i32
        %add3A_347 = arith.constant 0 : i32
        %add3A_348 = arith.addi %add3A_346, %add3A_347 : i32
        %dma_wait3A_349 = arith.constant 0 : i32
        %dma_wait3A_350 = tpu.memref_slice %arg10[%dma_wait3A_349] : memref<16384xf32, #tpu.memory_space<vmem>> -> memref<8192xf32, #tpu.memory_space<vmem>>
        %dma_wait3A_351 = arith.constant 0 : i32
        %dma_wait3A_352 = tpu.memref_slice %arg4[%add3A_348, %dma_wait3A_351] : memref<4096x8192xf32, #tpu.memory_space<hbm>> -> memref<1x8192xf32, #tpu.memory_space<hbm>>
        %dma_wait3A_353 = tpu.memref_squeeze %dma_wait3A_352 : memref<1x8192xf32, #tpu.memory_space<hbm>> -> memref<8192xf32, #tpu.memory_space<hbm>>
        %dma_wait3A_354 = arith.constant 0 : i32
        %dma_wait3A_355 = tpu.memref_slice %arg4[%add3A_348, %dma_wait3A_354] : memref<4096x8192xf32, #tpu.memory_space<hbm>> -> memref<1x8192xf32, #tpu.memory_space<hbm>>
        %dma_wait3A_356 = tpu.memref_squeeze %dma_wait3A_355 : memref<1x8192xf32, #tpu.memory_space<hbm>> -> memref<8192xf32, #tpu.memory_space<hbm>>
        %dma_wait3A_357 = arith.constant 0 : i32
        %dma_wait3A_358 = tpu.memref_slice %arg10[%dma_wait3A_357] : memref<16384xf32, #tpu.memory_space<vmem>> -> memref<8192xf32, #tpu.memory_space<vmem>>
        tpu.wait_dma2 semaphore(%arg14 : memref<!tpu.dma_semaphore, #tpu.memory_space<semaphore_mem>>) src(%dma_wait3A_358 : memref<8192xf32, #tpu.memory_space<vmem>>) dst(%dma_wait3A_356 : memref<8192xf32, #tpu.memory_space<hbm>>)
        %add3A_359 = arith.constant 1 : i32
        %add3A_360 = arith.addi %add3A_346, %add3A_359 : i32
        %dma_wait3A_361 = arith.constant 8192 : i32
        %dma_wait3A_362 = tpu.memref_slice %arg10[%dma_wait3A_361] : memref<16384xf32, #tpu.memory_space<vmem>> -> memref<8192xf32, #tpu.memory_space<vmem>>
        %dma_wait3A_363 = arith.constant 0 : i32
        %dma_wait3A_364 = tpu.memref_slice %arg4[%add3A_360, %dma_wait3A_363] : memref<4096x8192xf32, #tpu.memory_space<hbm>> -> memref<1x8192xf32, #tpu.memory_space<hbm>>
        %dma_wait3A_365 = tpu.memref_squeeze %dma_wait3A_364 : memref<1x8192xf32, #tpu.memory_space<hbm>> -> memref<8192xf32, #tpu.memory_space<hbm>>
        %dma_wait3A_366 = arith.constant 0 : i32
        %dma_wait3A_367 = tpu.memref_slice %arg4[%add3A_360, %dma_wait3A_366] : memref<4096x8192xf32, #tpu.memory_space<hbm>> -> memref<1x8192xf32, #tpu.memory_space<hbm>>
        %dma_wait3A_368 = tpu.memref_squeeze %dma_wait3A_367 : memref<1x8192xf32, #tpu.memory_space<hbm>> -> memref<8192xf32, #tpu.memory_space<hbm>>
        %dma_wait3A_369 = arith.constant 8192 : i32
        %dma_wait3A_370 = tpu.memref_slice %arg10[%dma_wait3A_369] : memref<16384xf32, #tpu.memory_space<vmem>> -> memref<8192xf32, #tpu.memory_space<vmem>>
        tpu.wait_dma2 semaphore(%arg14 : memref<!tpu.dma_semaphore, #tpu.memory_space<semaphore_mem>>) src(%dma_wait3A_370 : memref<8192xf32, #tpu.memory_space<vmem>>) dst(%dma_wait3A_368 : memref<8192xf32, #tpu.memory_space<hbm>>)
      } else {
      }
      %parallel_loop3A_308 = arith.constant 0 : i32
      %parallel_loop3A_309 = arith.constant 16384 : i32
      %parallel_loop3A_310 = arith.constant 16 : i32
      scf.for %parallel_loop3A_343 = %parallel_loop3A_308 to %parallel_loop3A_309 step %parallel_loop3A_310  : i32 {
        %parallel_loop3A_344 = arith.constant 8192 : i32
        %parallel_loop3A_345 = arith.divsi %parallel_loop3A_343, %parallel_loop3A_344 : i32
        %parallel_loop3A_346 = arith.constant 0 : i32
        %parallel_loop3A_347 = arith.cmpi sgt, %parallel_loop3A_343, %parallel_loop3A_346 : i32
        %parallel_loop3A_348 = arith.extui %parallel_loop3A_347 : i1 to i32
        %parallel_loop3A_349 = arith.constant 0 : i32
        %parallel_loop3A_350 = arith.cmpi slt, %parallel_loop3A_343, %parallel_loop3A_349 : i32
        %parallel_loop3A_351 = arith.extui %parallel_loop3A_350 : i1 to i32
        %parallel_loop3A_352 = arith.subi %parallel_loop3A_348, %parallel_loop3A_351 : i32
        %parallel_loop3A_353 = arith.constant 0 : i32
        %parallel_loop3A_354 = arith.cmpi sgt, %parallel_loop3A_344, %parallel_loop3A_353 : i32
        %parallel_loop3A_355 = arith.extui %parallel_loop3A_354 : i1 to i32
        %parallel_loop3A_356 = arith.constant 0 : i32
        %parallel_loop3A_357 = arith.cmpi slt, %parallel_loop3A_344, %parallel_loop3A_356 : i32
        %parallel_loop3A_358 = arith.extui %parallel_loop3A_357 : i1 to i32
        %parallel_loop3A_359 = arith.subi %parallel_loop3A_355, %parallel_loop3A_358 : i32
        %parallel_loop3A_360 = arith.cmpi ne, %parallel_loop3A_352, %parallel_loop3A_359 : i32
        %parallel_loop3A_361 = arith.remsi %parallel_loop3A_343, %parallel_loop3A_344 : i32
        %parallel_loop3A_362 = arith.constant 0 : i32
        %parallel_loop3A_363 = arith.cmpi ne, %parallel_loop3A_361, %parallel_loop3A_362 : i32
        %parallel_loop3A_364 = arith.andi %parallel_loop3A_360, %parallel_loop3A_363 : i1
        %parallel_loop3A_365 = arith.constant 1 : i32
        %parallel_loop3A_366 = arith.subi %parallel_loop3A_345, %parallel_loop3A_365 : i32
        %parallel_loop3A_367 = arith.select %parallel_loop3A_364, %parallel_loop3A_366, %parallel_loop3A_345 : i32
        %parallel_loop3A_368 = arith.constant 768 : i32
        %parallel_loop3A_369 = arith.muli %parallel_loop3A_367, %parallel_loop3A_368 : i32
        %parallel_loop3A_370 = tpu.assume_multiple %parallel_loop3A_343, 16 : i32
        %parallel_loop3A_371 = arith.index_cast %parallel_loop3A_370 : i32 to index
        %parallel_loop3A_372 = tpu.vector_load %arg8[%parallel_loop3A_371] {strides = array<i32>} : memref<16384xf32, #tpu.memory_space<vmem>>, vector<16xf32>,
        %parallel_loop3A_373 = arith.constant 2.560000e+02 : f32
        %parallel_loop3A_374 = vector.broadcast %parallel_loop3A_373 : f32 to vector<16xf32>
        %parallel_loop3A_375 = arith.mulf %parallel_loop3A_372, %parallel_loop3A_374 : vector<16xf32>
        %parallel_loop3A_376 = arith.fptosi %parallel_loop3A_375 : vector<16xf32> to vector<16xi32>
        %parallel_loop3A_377 = vector.broadcast %parallel_loop3A_369 : i32 to vector<16xi32>
        %parallel_loop3A_378 = arith.addi %parallel_loop3A_376, %parallel_loop3A_377 : vector<16xi32>
        %parallel_loop3A_379 = tpu.vector_load_idx %arg6[%parallel_loop3A_378] : memref<1536xf32, #tpu.memory_space<vmem>>[vector<16xi32>], vector<16xf32>,
        %parallel_loop3A_380 = arith.cmpf olt, %parallel_loop3A_372, %parallel_loop3A_379 : vector<16xf32>
        %parallel_loop3A_381 = arith.constant 1 : i32
        %parallel_loop3A_382 = vector.broadcast %parallel_loop3A_381 : i32 to vector<16xi32>
        %parallel_loop3A_383 = arith.subi %parallel_loop3A_378, %parallel_loop3A_382 : vector<16xi32>
        %parallel_loop3A_384 = arith.select %parallel_loop3A_380, %parallel_loop3A_383, %parallel_loop3A_378 : vector<16xi1>, vector<16xi32>
        %parallel_loop3A_385 = arith.constant 256 : i32
        %parallel_loop3A_386 = vector.broadcast %parallel_loop3A_385 : i32 to vector<16xi32>
        %parallel_loop3A_387 = arith.addi %parallel_loop3A_384, %parallel_loop3A_386 : vector<16xi32>
        %parallel_loop3A_388 = tpu.vector_load_idx %arg6[%parallel_loop3A_387] : memref<1536xf32, #tpu.memory_space<vmem>>[vector<16xi32>], vector<16xf32>,
        %parallel_loop3A_389 = arith.constant 512 : i32
        %parallel_loop3A_390 = vector.broadcast %parallel_loop3A_389 : i32 to vector<16xi32>
        %parallel_loop3A_391 = arith.addi %parallel_loop3A_384, %parallel_loop3A_390 : vector<16xi32>
        %parallel_loop3A_392 = tpu.vector_load_idx %arg6[%parallel_loop3A_391] : memref<1536xf32, #tpu.memory_space<vmem>>[vector<16xi32>], vector<16xf32>,
        %parallel_loop3A_393 = arith.mulf %parallel_loop3A_388, %parallel_loop3A_372 : vector<16xf32>
        %parallel_loop3A_394 = arith.addf %parallel_loop3A_392, %parallel_loop3A_393 : vector<16xf32>
        %parallel_loop3A_395 = arith.index_cast %parallel_loop3A_370 : i32 to index
        %parallel_loop3A_396 = tpu.vector_load %arg10[%parallel_loop3A_395] {strides = array<i32>} : memref<16384xf32, #tpu.memory_space<vmem>>, vector<16xf32>,
        tpu.vector_store %arg10[%parallel_loop3A_395], %parallel_loop3A_394 {strides = array<i32>} : memref<16384xf32, #tpu.memory_space<vmem>>, vector<16xf32>,
      } {sc.loop_unroll_factor = 8 : i64, sc.parallel_access}
      %mul3A_311 = arith.constant 2 : i32
      %mul3A_312 = arith.muli %add3A_251, %mul3A_311 : i32
      %add3A_313 = arith.addi %mul3A_2, %mul3A_312 : i32
      %add3A_314 = arith.constant 0 : i32
      %add3A_315 = arith.addi %add3A_313, %add3A_314 : i32
      %dma_start3A_316 = arith.constant 0 : i32
      %dma_start3A_317 = tpu.memref_slice %arg10[%dma_start3A_316] : memref<16384xf32, #tpu.memory_space<vmem>> -> memref<8192xf32, #tpu.memory_space<vmem>>
      %dma_start3A_318 = arith.constant 0 : i32
      %dma_start3A_319 = tpu.memref_slice %arg4[%add3A_315, %dma_start3A_318] : memref<4096x8192xf32, #tpu.memory_space<hbm>> -> memref<1x8192xf32, #tpu.memory_space<hbm>>
      %dma_start3A_320 = tpu.memref_squeeze %dma_start3A_319 : memref<1x8192xf32, #tpu.memory_space<hbm>> -> memref<8192xf32, #tpu.memory_space<hbm>>
      %dma_start3A_321 = arith.constant 0 : i32
      %dma_start3A_322 = tpu.memref_slice %arg4[%add3A_315, %dma_start3A_321] : memref<4096x8192xf32, #tpu.memory_space<hbm>> -> memref<1x8192xf32, #tpu.memory_space<hbm>>
      %dma_start3A_323 = tpu.memref_squeeze %dma_start3A_322 : memref<1x8192xf32, #tpu.memory_space<hbm>> -> memref<8192xf32, #tpu.memory_space<hbm>>
      %dma_start3A_324 = arith.constant 0 : i32
      %dma_start3A_325 = tpu.memref_slice %arg10[%dma_start3A_324] : memref<16384xf32, #tpu.memory_space<vmem>> -> memref<8192xf32, #tpu.memory_space<vmem>>
      tpu.enqueue_dma source(%dma_start3A_325 : memref<8192xf32, #tpu.memory_space<vmem>>) target(%dma_start3A_323 : memref<8192xf32, #tpu.memory_space<hbm>>) target_semaphore(%arg14 : memref<!tpu.dma_semaphore, #tpu.memory_space<semaphore_mem>>)
      %add3A_326 = arith.constant 1 : i32
      %add3A_327 = arith.addi %add3A_313, %add3A_326 : i32
      %dma_start3A_328 = arith.constant 8192 : i32
      %dma_start3A_329 = tpu.memref_slice %arg10[%dma_start3A_328] : memref<16384xf32, #tpu.memory_space<vmem>> -> memref<8192xf32, #tpu.memory_space<vmem>>
      %dma_start3A_330 = arith.constant 0 : i32
      %dma_start3A_331 = tpu.memref_slice %arg4[%add3A_327, %dma_start3A_330] : memref<4096x8192xf32, #tpu.memory_space<hbm>> -> memref<1x8192xf32, #tpu.memory_space<hbm>>
      %dma_start3A_332 = tpu.memref_squeeze %dma_start3A_331 : memref<1x8192xf32, #tpu.memory_space<hbm>> -> memref<8192xf32, #tpu.memory_space<hbm>>
      %dma_start3A_333 = arith.constant 0 : i32
      %dma_start3A_334 = tpu.memref_slice %arg4[%add3A_327, %dma_start3A_333] : memref<4096x8192xf32, #tpu.memory_space<hbm>> -> memref<1x8192xf32, #tpu.memory_space<hbm>>
      %dma_start3A_335 = tpu.memref_squeeze %dma_start3A_334 : memref<1x8192xf32, #tpu.memory_space<hbm>> -> memref<8192xf32, #tpu.memory_space<hbm>>
      %dma_start3A_336 = arith.constant 8192 : i32
      %dma_start3A_337 = tpu.memref_slice %arg10[%dma_start3A_336] : memref<16384xf32, #tpu.memory_space<vmem>> -> memref<8192xf32, #tpu.memory_space<vmem>>
      tpu.enqueue_dma source(%dma_start3A_337 : memref<8192xf32, #tpu.memory_space<vmem>>) target(%dma_start3A_335 : memref<8192xf32, #tpu.memory_space<hbm>>) target_semaphore(%arg14 : memref<!tpu.dma_semaphore, #tpu.memory_space<semaphore_mem>>)
      %lt3A_338 = arith.constant 62 : i32
      %lt3A_339 = arith.cmpi slt, %add3A_251, %lt3A_338 : i32
      %convert_element_type3A_340 = arith.extui %lt3A_339 : i1 to i32
      %cond3A_341 = arith.constant 0 : i32
      %cond3A_342 = arith.cmpi ne, %convert_element_type3A_340, %cond3A_341 : i32
      scf.if %cond3A_342 {
        %add3A_343 = arith.constant 2 : i32
        %add3A_344 = arith.addi %add3A_251, %add3A_343 : i32
        %mul3A_345 = arith.constant 2 : i32
        %mul3A_346 = arith.muli %add3A_344, %mul3A_345 : i32
        %add3A_347 = arith.addi %mul3A_2, %mul3A_346 : i32
        %add3A_348 = arith.constant 0 : i32
        %add3A_349 = arith.addi %add3A_347, %add3A_348 : i32
        %dma_start3A_350 = arith.constant 0 : i32
        %dma_start3A_351 = tpu.memref_slice %arg6[%dma_start3A_350] : memref<1536xf32, #tpu.memory_space<vmem>> -> memref<768xf32, #tpu.memory_space<vmem>>
        %dma_start3A_352 = arith.constant 0 : i32
        %dma_start3A_353 = tpu.memref_slice %arg2[%add3A_349, %dma_start3A_352] : memref<4096x768xf32, #tpu.memory_space<hbm>> -> memref<1x768xf32, #tpu.memory_space<hbm>>
        %dma_start3A_354 = tpu.memref_squeeze %dma_start3A_353 : memref<1x768xf32, #tpu.memory_space<hbm>> -> memref<768xf32, #tpu.memory_space<hbm>>
        %dma_start3A_355 = arith.constant 0 : i32
        %dma_start3A_356 = tpu.memref_slice %arg6[%dma_start3A_355] : memref<1536xf32, #tpu.memory_space<vmem>> -> memref<768xf32, #tpu.memory_space<vmem>>
        %dma_start3A_357 = arith.constant 0 : i32
        %dma_start3A_358 = tpu.memref_slice %arg2[%add3A_349, %dma_start3A_357] : memref<4096x768xf32, #tpu.memory_space<hbm>> -> memref<1x768xf32, #tpu.memory_space<hbm>>
        %dma_start3A_359 = tpu.memref_squeeze %dma_start3A_358 : memref<1x768xf32, #tpu.memory_space<hbm>> -> memref<768xf32, #tpu.memory_space<hbm>>
        tpu.enqueue_dma source(%dma_start3A_359 : memref<768xf32, #tpu.memory_space<hbm>>) target(%dma_start3A_356 : memref<768xf32, #tpu.memory_space<vmem>>) target_semaphore(%arg12 : memref<!tpu.dma_semaphore, #tpu.memory_space<semaphore_mem>>)
        %add3A_360 = arith.constant 0 : i32
        %add3A_361 = arith.addi %add3A_347, %add3A_360 : i32
        %dma_start3A_362 = arith.constant 0 : i32
        %dma_start3A_363 = tpu.memref_slice %arg8[%dma_start3A_362] : memref<16384xf32, #tpu.memory_space<vmem>> -> memref<8192xf32, #tpu.memory_space<vmem>>
        %dma_start3A_364 = arith.constant 0 : i32
        %dma_start3A_365 = tpu.memref_slice %arg3[%add3A_361, %dma_start3A_364] : memref<4096x8192xf32, #tpu.memory_space<hbm>> -> memref<1x8192xf32, #tpu.memory_space<hbm>>
        %dma_start3A_366 = tpu.memref_squeeze %dma_start3A_365 : memref<1x8192xf32, #tpu.memory_space<hbm>> -> memref<8192xf32, #tpu.memory_space<hbm>>
        %dma_start3A_367 = arith.constant 0 : i32
        %dma_start3A_368 = tpu.memref_slice %arg8[%dma_start3A_367] : memref<16384xf32, #tpu.memory_space<vmem>> -> memref<8192xf32, #tpu.memory_space<vmem>>
        %dma_start3A_369 = arith.constant 0 : i32
        %dma_start3A_370 = tpu.memref_slice %arg3[%add3A_361, %dma_start3A_369] : memref<4096x8192xf32, #tpu.memory_space<hbm>> -> memref<1x8192xf32, #tpu.memory_space<hbm>>
        %dma_start3A_371 = tpu.memref_squeeze %dma_start3A_370 : memref<1x8192xf32, #tpu.memory_space<hbm>> -> memref<8192xf32, #tpu.memory_space<hbm>>
        tpu.enqueue_dma source(%dma_start3A_371 : memref<8192xf32, #tpu.memory_space<hbm>>) target(%dma_start3A_368 : memref<8192xf32, #tpu.memory_space<vmem>>) target_semaphore(%arg12 : memref<!tpu.dma_semaphore, #tpu.memory_space<semaphore_mem>>)
        %add3A_372 = arith.constant 1 : i32
        %add3A_373 = arith.addi %add3A_347, %add3A_372 : i32
        %dma_start3A_374 = arith.constant 768 : i32
        %dma_start3A_375 = tpu.memref_slice %arg6[%dma_start3A_374] : memref<1536xf32, #tpu.memory_space<vmem>> -> memref<768xf32, #tpu.memory_space<vmem>>
        %dma_start3A_376 = arith.constant 0 : i32
        %dma_start3A_377 = tpu.memref_slice %arg2[%add3A_373, %dma_start3A_376] : memref<4096x768xf32, #tpu.memory_space<hbm>> -> memref<1x768xf32, #tpu.memory_space<hbm>>
        %dma_start3A_378 = tpu.memref_squeeze %dma_start3A_377 : memref<1x768xf32, #tpu.memory_space<hbm>> -> memref<768xf32, #tpu.memory_space<hbm>>
        %dma_start3A_379 = arith.constant 768 : i32
        %dma_start3A_380 = tpu.memref_slice %arg6[%dma_start3A_379] : memref<1536xf32, #tpu.memory_space<vmem>> -> memref<768xf32, #tpu.memory_space<vmem>>
        %dma_start3A_381 = arith.constant 0 : i32
        %dma_start3A_382 = tpu.memref_slice %arg2[%add3A_373, %dma_start3A_381] : memref<4096x768xf32, #tpu.memory_space<hbm>> -> memref<1x768xf32, #tpu.memory_space<hbm>>
        %dma_start3A_383 = tpu.memref_squeeze %dma_start3A_382 : memref<1x768xf32, #tpu.memory_space<hbm>> -> memref<768xf32, #tpu.memory_space<hbm>>
        tpu.enqueue_dma source(%dma_start3A_383 : memref<768xf32, #tpu.memory_space<hbm>>) target(%dma_start3A_380 : memref<768xf32, #tpu.memory_space<vmem>>) target_semaphore(%arg12 : memref<!tpu.dma_semaphore, #tpu.memory_space<semaphore_mem>>)
        %add3A_384 = arith.constant 1 : i32
        %add3A_385 = arith.addi %add3A_347, %add3A_384 : i32
        %dma_start3A_386 = arith.constant 8192 : i32
        %dma_start3A_387 = tpu.memref_slice %arg8[%dma_start3A_386] : memref<16384xf32, #tpu.memory_space<vmem>> -> memref<8192xf32, #tpu.memory_space<vmem>>
        %dma_start3A_388 = arith.constant 0 : i32
        %dma_start3A_389 = tpu.memref_slice %arg3[%add3A_385, %dma_start3A_388] : memref<4096x8192xf32, #tpu.memory_space<hbm>> -> memref<1x8192xf32, #tpu.memory_space<hbm>>
        %dma_start3A_390 = tpu.memref_squeeze %dma_start3A_389 : memref<1x8192xf32, #tpu.memory_space<hbm>> -> memref<8192xf32, #tpu.memory_space<hbm>>
        %dma_start3A_391 = arith.constant 8192 : i32
        %dma_start3A_392 = tpu.memref_slice %arg8[%dma_start3A_391] : memref<16384xf32, #tpu.memory_space<vmem>> -> memref<8192xf32, #tpu.memory_space<vmem>>
        %dma_start3A_393 = arith.constant 0 : i32
        %dma_start3A_394 = tpu.memref_slice %arg3[%add3A_385, %dma_start3A_393] : memref<4096x8192xf32, #tpu.memory_space<hbm>> -> memref<1x8192xf32, #tpu.memory_space<hbm>>
        %dma_start3A_395 = tpu.memref_squeeze %dma_start3A_394 : memref<1x8192xf32, #tpu.memory_space<hbm>> -> memref<8192xf32, #tpu.memory_space<hbm>>
        tpu.enqueue_dma source(%dma_start3A_395 : memref<8192xf32, #tpu.memory_space<hbm>>) target(%dma_start3A_392 : memref<8192xf32, #tpu.memory_space<vmem>>) target_semaphore(%arg12 : memref<!tpu.dma_semaphore, #tpu.memory_space<semaphore_mem>>)
      } else {
      }
    }
    %scan3A_105 = arith.constant 32 : i32
    %add3A_106 = arith.constant 124 : i32
    %add3A_107 = arith.addi %mul3A_2, %add3A_106 : i32
    %add3A_108 = arith.constant 0 : i32
    %add3A_109 = arith.addi %add3A_107, %add3A_108 : i32
    %dma_wait3A = arith.constant 0 : i32
    %dma_wait3A_110 = tpu.memref_slice %arg9[%dma_wait3A] : memref<16384xf32, #tpu.memory_space<vmem>> -> memref<8192xf32, #tpu.memory_space<vmem>>
    %dma_wait3A_111 = arith.constant 0 : i32
    %dma_wait3A_112 = tpu.memref_slice %arg4[%add3A_109, %dma_wait3A_111] : memref<4096x8192xf32, #tpu.memory_space<hbm>> -> memref<1x8192xf32, #tpu.memory_space<hbm>>
    %dma_wait3A_113 = tpu.memref_squeeze %dma_wait3A_112 : memref<1x8192xf32, #tpu.memory_space<hbm>> -> memref<8192xf32, #tpu.memory_space<hbm>>
    %dma_wait3A_114 = arith.constant 0 : i32
    %dma_wait3A_115 = tpu.memref_slice %arg4[%add3A_109, %dma_wait3A_114] : memref<4096x8192xf32, #tpu.memory_space<hbm>> -> memref<1x8192xf32, #tpu.memory_space<hbm>>
    %dma_wait3A_116 = tpu.memref_squeeze %dma_wait3A_115 : memref<1x8192xf32, #tpu.memory_space<hbm>> -> memref<8192xf32, #tpu.memory_space<hbm>>
    %dma_wait3A_117 = arith.constant 0 : i32
    %dma_wait3A_118 = tpu.memref_slice %arg9[%dma_wait3A_117] : memref<16384xf32, #tpu.memory_space<vmem>> -> memref<8192xf32, #tpu.memory_space<vmem>>
    tpu.wait_dma2 semaphore(%arg13 : memref<!tpu.dma_semaphore, #tpu.memory_space<semaphore_mem>>) src(%dma_wait3A_118 : memref<8192xf32, #tpu.memory_space<vmem>>) dst(%dma_wait3A_116 : memref<8192xf32, #tpu.memory_space<hbm>>)
    %add3A_119 = arith.constant 1 : i32
    %add3A_120 = arith.addi %add3A_107, %add3A_119 : i32
    %dma_wait3A_121 = arith.constant 8192 : i32
    %dma_wait3A_122 = tpu.memref_slice %arg9[%dma_wait3A_121] : memref<16384xf32, #tpu.memory_space<vmem>> -> memref<8192xf32, #tpu.memory_space<vmem>>
    %dma_wait3A_123 = arith.constant 0 : i32
    %dma_wait3A_124 = tpu.memref_slice %arg4[%add3A_120, %dma_wait3A_123] : memref<4096x8192xf32, #tpu.memory_space<hbm>> -> memref<1x8192xf32, #tpu.memory_space<hbm>>
    %dma_wait3A_125 = tpu.memref_squeeze %dma_wait3A_124 : memref<1x8192xf32, #tpu.memory_space<hbm>> -> memref<8192xf32, #tpu.memory_space<hbm>>
    %dma_wait3A_126 = arith.constant 0 : i32
    %dma_wait3A_127 = tpu.memref_slice %arg4[%add3A_120, %dma_wait3A_126] : memref<4096x8192xf32, #tpu.memory_space<hbm>> -> memref<1x8192xf32, #tpu.memory_space<hbm>>
    %dma_wait3A_128 = tpu.memref_squeeze %dma_wait3A_127 : memref<1x8192xf32, #tpu.memory_space<hbm>> -> memref<8192xf32, #tpu.memory_space<hbm>>
    %dma_wait3A_129 = arith.constant 8192 : i32
    %dma_wait3A_130 = tpu.memref_slice %arg9[%dma_wait3A_129] : memref<16384xf32, #tpu.memory_space<vmem>> -> memref<8192xf32, #tpu.memory_space<vmem>>
    tpu.wait_dma2 semaphore(%arg13 : memref<!tpu.dma_semaphore, #tpu.memory_space<semaphore_mem>>) src(%dma_wait3A_130 : memref<8192xf32, #tpu.memory_space<vmem>>) dst(%dma_wait3A_128 : memref<8192xf32, #tpu.memory_space<hbm>>)
    %add3A_131 = arith.constant 126 : i32
    %add3A_132 = arith.addi %mul3A_2, %add3A_131 : i32
    %add3A_133 = arith.constant 0 : i32
    %add3A_134 = arith.addi %add3A_132, %add3A_133 : i32
    %dma_wait3A_135 = arith.constant 0 : i32
    %dma_wait3A_136 = tpu.memref_slice %arg10[%dma_wait3A_135] : memref<16384xf32, #tpu.memory_space<vmem>> -> memref<8192xf32, #tpu.memory_space<vmem>>
    %dma_wait3A_137 = arith.constant 0 : i32
    %dma_wait3A_138 = tpu.memref_slice %arg4[%add3A_134, %dma_wait3A_137] : memref<4096x8192xf32, #tpu.memory_space<hbm>> -> memref<1x8192xf32, #tpu.memory_space<hbm>>
    %dma_wait3A_139 = tpu.memref_squeeze %dma_wait3A_138 : memref<1x8192xf32, #tpu.memory_space<hbm>> -> memref<8192xf32, #tpu.memory_space<hbm>>
    %dma_wait3A_140 = arith.constant 0 : i32
    %dma_wait3A_141 = tpu.memref_slice %arg4[%add3A_134, %dma_wait3A_140] : memref<4096x8192xf32, #tpu.memory_space<hbm>> -> memref<1x8192xf32, #tpu.memory_space<hbm>>
    %dma_wait3A_142 = tpu.memref_squeeze %dma_wait3A_141 : memref<1x8192xf32, #tpu.memory_space<hbm>> -> memref<8192xf32, #tpu.memory_space<hbm>>
    %dma_wait3A_143 = arith.constant 0 : i32
    %dma_wait3A_144 = tpu.memref_slice %arg10[%dma_wait3A_143] : memref<16384xf32, #tpu.memory_space<vmem>> -> memref<8192xf32, #tpu.memory_space<vmem>>
    tpu.wait_dma2 semaphore(%arg14 : memref<!tpu.dma_semaphore, #tpu.memory_space<semaphore_mem>>) src(%dma_wait3A_144 : memref<8192xf32, #tpu.memory_space<vmem>>) dst(%dma_wait3A_142 : memref<8192xf32, #tpu.memory_space<hbm>>)
    %add3A_145 = arith.constant 1 : i32
    %add3A_146 = arith.addi %add3A_132, %add3A_145 : i32
    %dma_wait3A_147 = arith.constant 8192 : i32
    %dma_wait3A_148 = tpu.memref_slice %arg10[%dma_wait3A_147] : memref<16384xf32, #tpu.memory_space<vmem>> -> memref<8192xf32, #tpu.memory_space<vmem>>
    %dma_wait3A_149 = arith.constant 0 : i32
    %dma_wait3A_150 = tpu.memref_slice %arg4[%add3A_146, %dma_wait3A_149] : memref<4096x8192xf32, #tpu.memory_space<hbm>> -> memref<1x8192xf32, #tpu.memory_space<hbm>>
    %dma_wait3A_151 = tpu.memref_squeeze %dma_wait3A_150 : memref<1x8192xf32, #tpu.memory_space<hbm>> -> memref<8192xf32, #tpu.memory_space<hbm>>
    %dma_wait3A_152 = arith.constant 0 : i32
    %dma_wait3A_153 = tpu.memref_slice %arg4[%add3A_146, %dma_wait3A_152] : memref<4096x8192xf32, #tpu.memory_space<hbm>> -> memref<1x8192xf32, #tpu.memory_space<hbm>>
    %dma_wait3A_154 = tpu.memref_squeeze %dma_wait3A_153 : memref<1x8192xf32, #tpu.memory_space<hbm>> -> memref<8192xf32, #tpu.memory_space<hbm>>
    %dma_wait3A_155 = arith.constant 8192 : i32
    %dma_wait3A_156 = tpu.memref_slice %arg10[%dma_wait3A_155] : memref<16384xf32, #tpu.memory_space<vmem>> -> memref<8192xf32, #tpu.memory_space<vmem>>
    tpu.wait_dma2 semaphore(%arg14 : memref<!tpu.dma_semaphore, #tpu.memory_space<semaphore_mem>>) src(%dma_wait3A_156 : memref<8192xf32, #tpu.memory_space<vmem>>) dst(%dma_wait3A_154 : memref<8192xf32, #tpu.memory_space<hbm>>)
    return
  }
}

</mosaic_0001>

<sc_bundles>
// kernel: _interp.3.cloned.1.call-start
scs
__scs_entry_jumppad:
0x0: {  	(pc) =	sbr.rel $0x88, $3  }
0x1: {  	(tag) =	ssettag $0x0;
	lr =	simm.s32 $0x1  }
0x2: {  	[smem:$0x3F9F] =	sst lr;
	_ =	strace $0xD0000000  }
0x3: {  	_ = 	snop  }
0x4: {  	_ = 	snop  }
0x5: {  	_ = 	snop  }
0x6: {  	_ = 	snop  }
0x7: {  	_ = 	snop  }
__scs_overlays_trampoline_lowered:
0x8: {  	[smem:$0x3FAE] =	sst s0  }
0x9: {  	[smem:$0x3FAF] =	sst s1  }
0xa: {  	[smem:$0x3FB0] =	sst s2  }
0xb: {  	[smem:$0x3FB1] =	sst s3  }
0xc: {  	[smem:$0x3FB2] =	sst s4  }
0xd: {  	[smem:$0x3FB3] =	sst s5  }
0xe: {  	[smem:$0x3FB4] =	sst s6  }
0xf: {  	[smem:$0x3FB5] =	sst s7  }
0x10: {  	[smem:$0x3FB6] =	sst s8  }
0x11: {  	[smem:$0x3FB7] =	sst s9;
	s0 =	simm.s32 @!p0 $0x0  }
0x12: {  	s1 =	sld [smem:$0x3F9D];
	s0 =	simm.s32 @p0 $0x1  }
0x13: {  	[smem:$0x3FB8] =	sst s0;
	s0 =	simm.s32 @!p1 $0x0  }
0x14: {  	s2 =	sld [smem:$0x3F9C];
	s0 =	simm.s32 @p1 $0x1  }
0x15: {  	[smem:$0x3FB9] =	sst s0;
	s0 =	simm.s32 @!p2 $0x0  }
0x16: {  	s3 =	sld [smem:$0x3FDB];
	s0 =	simm.s32 @p2 $0x1  }
0x17: {  	s4 =	simm.s32 $0x1BF5;
	[smem:$0x3FBB] =	sst s0  }
0x18: {  	s0 =	sld [smem:$0x3F9E];
	_ =	swait.ge [sflag:s4], $0x0  }
0x19: {  	s7 =	sld [smem:$0x3F9F]  }
0x1a: {  	s8 =	sadd.s32 $0xFFFFE003, lr  }
0x1b: {  	s9 =	sadd.s32 $0xFFFFFEF7, lr;
	s5 =	simm.s32 $0xFFFFFFFF;
	p2 =	slt.u32 s8, $0xFFFFF086  }
0x1c: {  	p1 =	slt.u32 s9, $0xF7A;
	s5 =	simm.s32 @!p2 $0x0  }
0x1d: {  	s5 =	simm.s32 @p1 $0x1;
	p0 =	seq.s32 s7, s2  }
0x1e: {  	s7 =	smul.u32 @!p0 $0xF7A, s2;
	p2 =	seq.s32 @!p0 s5, $0x0  }
0x1f: {  	s9 =	smul.u32 $0xF7A, s1;
	s8 =	simm.s32 @!p0 $0x1BF5;
	p2 =	por !p2, p0  }
0x20: {  	[sflag:s8] =	ssyncset.s32 @!p0 $0xFFFFF086;
	s6 =	sadd.s32 @!p0 s3, s7;
	s7 =	simm.s32 @!p0 $0x108  }
0x21: {  	s3 =	sadd.s32 s3, s9;
	s6 =	sadd.s32 @!p0 $0x88, s6;
	s7 =	simm.s32 @p2 $0x1082  }
0x22: {  	[simem:s7], [sflag:s8] =	dma.local @!p0 [hbm:s6], $0xF7A  }
0x23: {  	s9 =	sor.u32 $0xD0000000, s2;
	s6 =	simm.s32 $0x108;
	_ =	swait.ge @!p0 [sflag:s8], $0x0  }
0x24: {  	s3 =	sadd.s32 $0x88, s3;
	s6 =	simm.s32 @!p1 $0x1082;
	[sflag:s4] =	ssyncset.s32 $0xFFFFF086  }
0x25: {  	[simem:s6], [sflag:s4] =	dma.local [hbm:s3], $0xF7A  }
0x26: {  	[smem:$0x3F9F] =	sst s1;
	(tag) =	ssettag s2;
	_ =	strace s9  }
0x27: {  	s1 =	sld [smem:$0x3FAF]  }
0x28: {  	s2 =	sld [smem:$0x3FB0]  }
0x29: {  	s4 =	sld [smem:$0x3FB2]  }
0x2a: {  	p0 =	seq.s32 s5, $0x0;
	s5 =	sld [smem:$0x3FB3]  }
0x2b: {  	s6 =	sld [smem:$0x3FB4]  }
0x2c: {  	s7 =	sld [smem:$0x3FB5]  }
0x2d: {  	s3 =	simm.s32 $0x108;
	s8 =	sld [smem:$0x3FB6]  }
0x2e: {  	s3 =	simm.s32 @!p0 $0x1082;
	s9 =	sld [smem:$0x3FB7]  }
0x2f: {  	lr =	sadd.s32 s0, s3;
	s0 =	sld [smem:$0x3FAE]  }
0x30: {  	s3 =	sld [smem:$0x3FB1]  }
0x31: {  	[smem:$0x3FBA] =	sst s10  }
0x32: {  	s10 =	sld [smem:$0x3FB8];
	_ =	sdelay $0x3  }
0x33: {  	p0 =	seq.s32 s10, $0x1;
	s10 =	sld [smem:$0x3FBA];
	_ =	sdelay $0x3  }
0x34: {  	[smem:$0x3FBA] =	sst s10  }
0x35: {  	s10 =	sld [smem:$0x3FB9];
	_ =	sdelay $0x3  }
0x36: {  	p1 =	seq.s32 s10, $0x1;
	s10 =	sld [smem:$0x3FBA];
	_ =	sdelay $0x3  }
0x37: {  	[smem:$0x3FBA] =	sst s10  }
0x38: {  	s10 =	sld [smem:$0x3FBB]  }
0x39: {  	_ = 	snop;
	(pc) =	sbr.ind lr, $3  }
0x3a: {  	_ = 	snop  }
0x3b: {  	_ = 	snop  }
0x3c: {  	p2 =	seq.s32 s10, $0x1;
	s10 =	sld [smem:$0x3FBA]  }
0x3d: {  	_ =	shalt  }
0x3e: {  	_ =	shalt  }
0x3f: {  	_ =	shalt  }
0x40: {  	_ =	shalt  }
0x41: {  	_ =	shalt  }
0x42: {  	_ =	shalt  }
0x43: {  	_ =	shalt  }
0x44: {  	_ =	shalt  }
0x45: {  	_ =	shalt  }
0x46: {  	_ =	shalt  }
0x47: {  	_ =	shalt  }
0x48: {  	_ =	shalt  }
0x49: {  	_ =	shalt  }
0x4a: {  	_ =	shalt  }
0x4b: {  	_ =	shalt  }
0x4c: {  	_ =	shalt  }
0x4d: {  	_ =	shalt  }
0x4e: {  	_ =	shalt  }
0x4f: {  	_ =	shalt  }
0x50: {  	_ =	shalt  }
0x51: {  	_ =	shalt  }
0x52: {  	_ =	shalt  }
0x53: {  	_ =	shalt  }
0x54: {  	_ =	shalt  }
0x55: {  	_ =	shalt  }
0x56: {  	_ =	shalt  }
0x57: {  	_ =	shalt  }
0x58: {  	_ =	shalt  }
0x59: {  	_ =	shalt  }
0x5a: {  	_ =	shalt  }
0x5b: {  	_ =	shalt  }
0x5c: {  	_ =	shalt  }
0x5d: {  	_ =	shalt  }
0x5e: {  	_ =	shalt  }
0x5f: {  	_ =	shalt  }
0x60: {  	_ =	shalt  }
0x61: {  	_ =	shalt  }
0x62: {  	_ =	shalt  }
0x63: {  	_ =	shalt  }
0x64: {  	_ =	shalt  }
0x65: {  	_ =	shalt  }
0x66: {  	_ =	shalt  }
0x67: {  	_ =	shalt  }
0x68: {  	_ =	shalt  }
0x69: {  	_ =	shalt  }
0x6a: {  	_ =	shalt  }
0x6b: {  	_ =	shalt  }
0x6c: {  	_ =	shalt  }
0x6d: {  	_ =	shalt  }
0x6e: {  	_ =	shalt  }
0x6f: {  	_ =	shalt  }
0x70: {  	_ =	shalt  }
0x71: {  	_ =	shalt  }
0x72: {  	_ =	shalt  }
0x73: {  	_ =	shalt  }
0x74: {  	_ =	shalt  }
0x75: {  	_ =	shalt  }
0x76: {  	_ =	shalt  }
0x77: {  	_ =	shalt  }
0x78: {  	_ =	shalt  }
0x79: {  	_ =	shalt  }
0x7a: {  	_ =	shalt  }
0x7b: {  	_ =	shalt  }
0x7c: {  	_ =	shalt  }
0x7d: {  	_ =	shalt  }
0x7e: {  	_ =	shalt  }
0x7f: {  	_ =	shalt  }
0x80: {  	_ =	shalt  }
0x81: {  	_ =	shalt  }
0x82: {  	_ =	shalt  }
0x83: {  	_ =	shalt  }
0x84: {  	_ =	shalt  }
0x85: {  	_ =	shalt  }
0x86: {  	_ =	shalt  }
0x87: {  	_ =	shalt  }
.Lfunc_end0:
.L_simem_size_0:
called_computation_lowered:
.L_overlay_start_0:
0x88: {  	s2 =	sld [smem:$0x3FD9]  }
0x89: {  	s3 =	sld [smem:$0x3FFE];
	_ =	sdelay $0x1  }
0x8a: {  	s1 =	srdreg.scid  }
0x8b: {  	s0 =	sand.u32 $0x1, s1  }
0x8c: {  	s18 =	sshll.u32 s0, $0xA;
	s2 =	sadd.s32 s3, s2  }
0x8d: {  	s2 =	sadd.s32 s2, s18  }
0x8e: {  	[smem:$0x3FC6] =	sst s2  }
0x8f: {  	_ = 	snop  }
0x90: {  	s2 =	sld [smem:$0x3FC9]  }
0x91: {  	s19 =	sld [smem:$0x3FC8]  }
0x92: {  	s4 =	sld [smem:$0x3FD0];
	(tm) =	ssettm $0x1  }
0x93: {  	s5 =	sld [smem:$0x3FFB];
	_ =	sdelay $0x3  }
0x94: {  	_ =	strace s5  }
0x95: {  	s5 =	sld [smem:$0x3FFC];
	_ =	sdelay $0x3  }
0x96: {  	_ =	strace s5  }
0x97: {  	s5 =	sld [smem:$0x3FFD];
	_ =	sdelay $0x3  }
0x98: {  	_ =	strace s5  }
0x99: {  	_ =	strace $0x8FFFFFFF  }
0x9a: {  	s20 =	sld [smem:$0x3FDB];
	_ =	sdelay $0x1  }
0x9b: {  	s6 =	simm.s32 $_scs_section_size  }
0x9c: {  	s7 =	simm.s32 $_size__tile_overlayer_lowered;
	s8 =	simm.s32 $_tile_overlayer_lowered  }
0x9d: {  	s23 =	simm.s32 $0x1BFF;
	s22 =	sshll.u32 s8, $0x1;
	s5 =	sadd.s32 s6, s20  }
0x9e: {  	s9 =	simm.s32 $0x0;
	s21 =	sshll.u32 s7, $0x1;
	s7 =	sadd.s32 s22, s5  }
0x9f: {  	[timem:s9], [sflag:s23] =	dma.local [hbm:s7], s21  }
0xa0: {  	_ =	swait.ge [sflag:s23], s21  }
0xa1: {  	s6 =	ssub.s32 $0x0, s21;
	[sflag:s23] =	ssyncset.done $0x0  }
0xa2: {  	[sflag:s23] =	ssyncadd.s32 s6;
	_ =	sdelay $0x1  }
0xa3: {  	s24 =	simm.s32 $0x1B8B  }
0xa4: {  	_ =	swait.ge [sflag:s24], $0x1  }
0xa5: {  	[sflag:s24] =	ssyncset.done $0x0  }
0xa6: {  	s25 =	simm.s32 $0x1B8E;
	[sflag:s24] =	ssyncadd.s32 $0xFFFFFFFF  }
0xa7: {  	s26 =	simm.s32 $execute0_lowered;
	[smem:$0x3FD2] =	sst s25  }
0xa8: {  	s6 =	sshll.u32 s26, $0x1;
	_ =	strace $0x80000046;
	[dreg:$0x1] =	wrdreg $0xFFFFFFFF  }
0xa9: {  	s28 =	simm.s32 $_size_execute0_lowered;
	s5 =	sadd.s32 s5, s6;
	[dreg:$0x0] =	wrdreg $0x0  }
0xaa: {  	s6 =	sshll.u32 s28, $0x1;
	[dreg:$0x2] =	wrdreg s5  }
0xab: {  	[dreg:$0x3] =	wrdreg s6  }
0xac: {  	[dreg:$0x4] =	wrdreg $0xC0  }
0xad: {  	_ =	task [dreg:s9], $0x5FFFF  }
0xae: {  	[dreg:$0x1] =	wrdreg $0xFFFFFFFF  }
0xaf: {  	[dreg:$0x0] =	wrdreg $0x60  }
0xb0: {  	[dreg:$0x2] =	wrdreg s2  }
0xb1: {  	[dreg:$0x3] =	wrdreg s19  }
0xb2: {  	[dreg:$0x4] =	wrdreg s4  }
0xb3: {  	[dreg:$0x5] =	wrdreg $0x9  }
0xb4: {  	_ =	task.clear_ibuf [dreg:s9], $0x6FFFF;
	_ =	strace $0x90000046  }
0xb5: {  	s29 =	simm.s32 $0x9;
	_ =	strace $0x80000048  }
0xb6: {  	_ =	swait.ge [sflag:s29], $0x1  }
0xb7: {  	[sflag:s29] =	ssyncadd.s32 $0xFFFFFFFF  }
0xb8: {  	_ =	strace $0x90000048  }
0xb9: {  	_ =	sfence  }
0xba: {  	s30 =	sld [smem:$0x0];
	_ =	sdelay $0x2  }
0xbb: {  	s31 =	sshll.u32 s1, $0xD;
	s1 =	sshrl.u32 s1, $0x2  }
0xbc: {  	s3 =	sand.u32 $0x4000, s31;
	s1 =	sadd.s32 s1, s30  }
0xbd: {  	s0 =	sor.u32 s3, s0;
	s1 =	sshll.u32 s1, $0x11  }
0xbe: {  	s0 =	sor.u32 s1, s0  }
0xbf: {  	s0 =	sadd.s32 $0x8F2B, s0  }
0xc0: {  	[sflag:s0] =	ssyncadd.remote.s32 $0x1  }
0xc1: {  	_ =	sfence.sel $0xFFFF  }
0xc2: {  	[dreg:$0x0] =	wrdreg $0xFFFFFFFF;
	(pc) =	sbr.abs _section_cstart, $3  }
0xc3: {  	[dreg:$0x1] =	wrdreg $0xFFFFFFFF  }
0xc4: {  	_ =	task.clear_ibuf [dreg:s9], $0x2FFFF;
	_ =	strace $0x9FFFFFFF  }
0xc5: {  	(tm) =	ssettm $0x7FFFFFFF  }
tec
execute0_lowered:
.L_overlay_start_1:
0x0: {  	(tag) =	ssettag $0x1  }
0x1: {  	s1 =	rddreg [dreg:$0x0]  }
0x2: {  	s0 =	srdreg.scid;
	s3 =	rddreg [dreg:$0x1]  }
0x3: {  	s2 =	stileid.u32;
	s4 =	rddreg [dreg:$0x2];
	s6 =	simm.s32 $0x0  }
0x4: {  	s17 =	simm.s32 $0x80;
	s18 =	simm.s32 $0x400;
	s28 =	simm.s32 $0x8C00  }
0x5: {  	s29 =	simm.s32 $0xAC00;
	s30 =	simm.s32 $0x2;
	s0 =	sand.u32 $0x1, s0  }
0x6: {  	s31 =	simm.s32 $0xCC00;
	s2 =	sshll.u32 s2, $0x8;
	s5 =	sshll.u32 s0, $0x7  }
0x7: {  	s19 =	simm.s32 $0x4;
	s0 =	ssub.s32 $0x2, s0;
	s5 =	sor.u32 s5, s2  }
0x8: {  	s20 =	simm.s32 $0x0;
	s7 =	sshrl.u32 s0, $0x1;
	s8 =	sshll.u32 s5, $0xA  }
0x9: {  	[smem:$0x7FF] =	sst s6;
	s0 =	ssub.s32 s0, s7;
	s22 =	sadd.s32 s3, s8  }
0xa: {  	_ =	strace $0x80000047;
	s0 =	smax.u32 s0, $0x1;
	[dreg:$0x5] =	wrdreg s22  }
0xb: {  	s2 =	sshrl.u32 s5, $0x3;
	s23 =	sadd.s32 $0x10, s22;
	[dreg:$0xc] =	wrdreg s0  }
0xc: {  	s2 =	smul.u32 $0x300, s2;
	s25 =	sadd.s32 $0x20, s22;
	[dreg:$0x7] =	wrdreg s23  }
0xd: {  	s26 =	sadd.s32 $0x30, s22;
	s22 =	simm.s32 $0x600;
	[dreg:$0x9] =	wrdreg s25  }
.Ltmp0:
0xe: {  	s2 =	sadd.s32 s1, s2;
	[dreg:$0xb] =	wrdreg s26;
	(pc) =	sbr.rel .LBB2_1-.Ltmp0, $4  }
0xf: {  	s23 =	simm.s32 $0x4C00;
	s9 =	sadd.s32 $0x10, s2;
	[dreg:$0x4] =	wrdreg s2  }
0x10: {  	s25 =	simm.s32 $0x6C00;
	s24 =	sadd.s32 $0x20, s2;
	[dreg:$0x6] =	wrdreg s9  }
0x11: {  	s26 =	simm.s32 $0x1;
	s2 =	sadd.s32 $0x30, s2;
	[dreg:$0x8] =	wrdreg s24  }
0x12: {  	v0 =	vimm.s32 $0x0;
	[dreg:$0xa] =	wrdreg s2;
	s24 =	simm.s32 $0x900;
	s2 =	simm.s32 $0xEC00  }
.LBB2_8:
0x13: {  	s0 =	simm.s32 $0x3  }
0x14: {  	_ =	swait.ge [sflag:s0], $0x2000  }
0x15: {  	[sflag:s0] =	ssyncset.done $0x0  }
0x16: {  	[sflag:s0] =	ssyncadd.s32 $0xFFFFE000  }
0x17: {  	_ =	swait.ge [sflag:s0], $0x2000  }
0x18: {  	[sflag:s0] =	ssyncset.done $0x0  }
0x19: {  	[sflag:s0] =	ssyncadd.s32 $0xFFFFE000  }
0x1a: {  	_ =	swait.ge [sflag:s19], $0x2000  }
0x1b: {  	[sflag:s19] =	ssyncset.done $0x0  }
0x1c: {  	[sflag:s19] =	ssyncadd.s32 $0xFFFFE000  }
0x1d: {  	_ =	swait.ge [sflag:s19], $0x2000  }
0x1e: {  	s20 =	sadd.s32 $0x1, s20;
	s21 =	rddreg [dreg:$0xc]  }
0x1f: {  	p0 =	sne.s32 s20, s21  }
.Ltmp1:
0x20: {  	_ = 	snop;
	(pc) =	sbr.rel @!p0 .LBB2_9-.Ltmp1, $3  }
0x21: {  	_ =	sdelay $0x1  }
0x22: {  	[sflag:s19] =	ssyncset.done $0x0  }
0x23: {  	[sflag:s19] =	ssyncadd.s32 $0xFFFFE000  }
.LBB2_1:
0x24: {  	s0 =	rddreg [dreg:$0x4]  }
0x25: {  	[tilespmem:s6], [sflag:$0x1] =	stream.strided.gather [hbm4b:s0+s17], $0x300, s18, s17, $0x38;
	[tilespmem:$0x10C00] =	vst v63  }
0x26: {  	s9 =	rddreg [dreg:$0x5];
	s7 =	simm.s32 $0xC00  }
0x27: {  	[tilespmem:s7], [sflag:$0x1] =	stream.strided.gather [hbm4b:s9+s17], $0x2000, s18, s17, $0x38;
	[tilespmem:$0x10C00] =	vst v63  }
0x28: {  	s10 =	rddreg [dreg:$0x6];
	s11 =	simm.s32 $0x300  }
0x29: {  	[tilespmem:s11], [sflag:$0x1] =	stream.strided.gather [hbm4b:s10+s17], $0x300, s18, s17, $0x38;
	[tilespmem:$0x10C00] =	vst v63  }
0x2a: {  	s12 =	rddreg [dreg:$0x7];
	s13 =	simm.s32 $0x2C00  }
0x2b: {  	[tilespmem:s13], [sflag:$0x1] =	stream.strided.gather [hbm4b:s12+s17], $0x2000, s18, s17, $0x38;
	[tilespmem:$0x10C00] =	vst v63  }
0x2c: {  	s14 =	rddreg [dreg:$0x8]  }
0x2d: {  	[tilespmem:s22], [sflag:$0x2] =	stream.strided.gather [hbm4b:s14+s17], $0x300, s18, s17, $0x38;
	[tilespmem:$0x10C00] =	vst v63  }
0x2e: {  	s15 =	rddreg [dreg:$0x9]  }
0x2f: {  	[tilespmem:s23], [sflag:$0x2] =	stream.strided.gather [hbm4b:s15+s17], $0x2000, s18, s17, $0x38;
	[tilespmem:$0x10C00] =	vst v63  }
0x30: {  	s16 =	rddreg [dreg:$0xa]  }
0x31: {  	[tilespmem:s24], [sflag:$0x2] =	stream.strided.gather [hbm4b:s16+s17], $0x300, s18, s17, $0x38;
	[tilespmem:$0x10C00] =	vst v63  }
0x32: {  	s21 =	rddreg [dreg:$0xb]  }
0x33: {  	[tilespmem:s25], [sflag:$0x2] =	stream.strided.gather [hbm4b:s21+s17], $0x2000, s18, s17, $0x38;
	[tilespmem:$0x10C00] =	vst v63  }
0x34: {  	s21 =	simm.s32 $0x0  }
.LBB2_2:
0x35: {  	_ =	swait.ge [sflag:s26], $0x300  }
0x36: {  	[sflag:s26] =	ssyncset.done $0x0  }
0x37: {  	[sflag:s26] =	ssyncadd.s32 $0xFFFFFD00  }
0x38: {  	_ =	swait.ge [sflag:s26], $0x2000  }
0x39: {  	[sflag:s26] =	ssyncset.done $0x0  }
0x3a: {  	[sflag:s26] =	ssyncadd.s32 $0xFFFFE000  }
0x3b: {  	_ =	swait.ge [sflag:s26], $0x300  }
0x3c: {  	[sflag:s26] =	ssyncset.done $0x0  }
0x3d: {  	[sflag:s26] =	ssyncadd.s32 $0xFFFFFD00  }
0x3e: {  	_ =	swait.ge [sflag:s26], $0x2000  }
0x3f: {  	p0 =	seq.s32 s21, $0x0;
	[sflag:s26] =	ssyncset.done $0x0  }
0x40: {  	s7 =	simm.s32 @!p0 $0x3;
	[sflag:s26] =	ssyncadd.s32 $0xFFFFE000  }
0x41: {  	_ =	swait.ge @!p0 [sflag:s7], $0x2000  }
0x42: {  	[sflag:s7] =	ssyncset.done @!p0 $0x0  }
0x43: {  	[sflag:s7] =	ssyncadd.s32 @!p0 $0xFFFFE000  }
0x44: {  	_ =	swait.ge @!p0 [sflag:s7], $0x2000  }
0x45: {  	[sflag:s7] =	ssyncset.done @!p0 $0x0  }
0x46: {  	s10 =	simm.s32 $0xC40;
	[sflag:s7] =	ssyncadd.s32 @!p0 $0xFFFFE000  }
0x47: {  	v14 =	vld [tilespmem:s10+$0x30];
	_ =	sdelay $0x1  }
0x48: {  	v13 =	vld [tilespmem:s10+$0xFFFFFFC0];
	_ =	sdelay $0x1  }
0x49: {  	v12 =	vld [tilespmem:s10+$0xFFFFFFD0]  }
0x4a: {  	v16 =	vld [tilespmem:s10+$0xFFFFFFE0];
	v1 =	vmul.f32 $2.560000000e+02, v14  }
0x4b: {  	v9 =	vld [tilespmem:s10+$0xFFFFFFF0]  }
0x4c: {  	s9 =	simm.s32 $0x0;
	v10 =	vld [tilespmem:s10+$0x0];
	v2 =	vmul.f32 $2.560000000e+02, v13;
	v1 =	vtrunc.f32 v1  }
0x4d: {  	s9 =	smul.u32 $0x300, s9;
	v11 =	vld [tilespmem:s10+$0x10];
	v1 =	vcvt.f32.s32 v1  }
0x4e: {  	v2 =	vtrunc.f32 v2  }
0x4f: {  	v2 =	vcvt.f32.s32 v2;
	v1 =	vadd.s32 s9, v1  }
0x50: {  	v3 =	vmul.f32 $2.560000000e+02, v12;
	v4 =	vmul.f32 $2.560000000e+02, v16  }
0x51: {  	v15 =	vld [tilespmem:s10+$0x20];
	v5 =	vmul.f32 $2.560000000e+02, v9;
	v6 =	vmul.f32 $2.560000000e+02, v10;
	v2 =	vadd.s32 s9, v2  }
0x52: {  	v7 =	vmul.f32 $2.560000000e+02, v11;
	v3 =	vtrunc.f32 v3  }
0x53: {  	v6 =	vtrunc.f32 v6;
	v3 =	vcvt.f32.s32 v3  }
0x54: {  	v4 =	vtrunc.f32 v4;
	v6 =	vcvt.f32.s32 v6;
	v8 =	vld.idx.msk [tilespmem:v1+s6+$0x0], $0xffff  }
0x55: {  	v5 =	vtrunc.f32 v5;
	v4 =	vcvt.f32.s32 v4;
	v3 =	vadd.s32 s9, v3  }
0x56: {  	v17 =	vmul.f32 $2.560000000e+02, v15;
	v5 =	vcvt.f32.s32 v5;
	v18 =	vadd.s32 s9, v6;
	v6 =	vld.idx.msk [tilespmem:v2+s6+$0x0], $0xffff  }
0x57: {  	v7 =	vtrunc.f32 v7;
	v4 =	vadd.s32 s9, v4  }
0x58: {  	v17 =	vtrunc.f32 v17;
	v7 =	vcvt.f32.s32 v7;
	v5 =	vadd.s32 s9, v5  }
0x59: {  	v17 =	vcvt.f32.s32 v17;
	vm0 =	vlt.f32 v14, v8  }
0x5a: {  	s11 =	simm.s32 $0xCC0;
	v7 =	vadd.s32 s9, v7;
	v19 =	vld.idx.msk [tilespmem:v3+s6+$0x0], $0xffff;
	v8 =	vsel vm0, $0xFFFFFFFF, v0  }
0x5b: {  	v17 =	vadd.s32 s9, v17;
	vm0 =	vlt.f32 v13, v6;
	v6 =	vld [tilespmem:s11+$0x30];
	v1 =	vadd.s32 v8, v1  }
0x5c: {  	v8 =	vld.idx.msk [tilespmem:v4+s6+$0x0], $0xffff;
	v20 =	vadd.s32 $0x100, v1;
	v1 =	vadd.s32 $0x200, v1  }
0x5d: {  	v21 =	vld.idx.msk [tilespmem:v5+s6+$0x0], $0xffff  }
0x5e: {  	v22 =	vld.idx.msk [tilespmem:v18+s6+$0x0], $0xffff  }
0x5f: {  	v23 =	vld.idx.msk [tilespmem:v7+s6+$0x0], $0xffff  }
0x60: {  	v24 =	vld.idx.msk [tilespmem:v17+s6+$0x0], $0xffff;
	v25 =	vsel vm0, $0xFFFFFFFF, v0;
	vm0 =	vlt.f32 v12, v19  }
0x61: {  	v28 =	vmul.f32 $2.560000000e+02, v6;
	vm1 =	vlt.f32 v16, v8;
	v19 =	vld.idx.msk [tilespmem:v1+s6+$0x0], $0xffff;
	v1 =	vsel vm0, $0xFFFFFFFF, v0  }
0x62: {  	v20 =	vld.idx.msk [tilespmem:v20+s6+$0x0], $0xffff;
	v8 =	vsel vm1, $0xFFFFFFFF, v0;
	vm0 =	vlt.f32 v9, v21;
	v21 =	vadd.s32 v25, v2  }
0x63: {  	v28 =	vtrunc.f32 v28;
	v25 =	vadd.s32 v1, v3;
	v2 =	vsel vm0, $0xFFFFFFFF, v0;
	v1 =	vld [tilespmem:s11+$0xFFFFFFC0]  }
0x64: {  	v26 =	vadd.s32 v8, v4;
	vm0 =	vlt.f32 v10, v22;
	v3 =	vld [tilespmem:s11+$0xFFFFFFE0];
	v28 =	vcvt.f32.s32 v28  }
0x65: {  	v8 =	vld [tilespmem:s11+$0x0];
	v4 =	vsel vm0, $0xFFFFFFFF, v0;
	vm0 =	vlt.f32 v11, v23;
	v23 =	vadd.s32 $0x100, v21  }
0x66: {  	v22 =	vadd.s32 v2, v5;
	v2 =	vld [tilespmem:s11+$0xFFFFFFD0];
	v27 =	vadd.s32 $0x100, v25;
	v21 =	vadd.s32 $0x200, v21  }
0x67: {  	s12 =	simm.s32 $0x0;
	v18 =	vadd.s32 v4, v18;
	v5 =	vsel vm0, $0xFFFFFFFF, v0;
	v4 =	vld [tilespmem:s11+$0xFFFFFFF0];
	vm0 =	vlt.f32 v15, v24  }
0x68: {  	s13 =	smul.u32 $0x300, s12;
	v25 =	vadd.s32 $0x200, v25;
	v29 =	vadd.s32 v5, v7;
	v7 =	vsel vm0, $0xFFFFFFFF, v0;
	v5 =	vld [tilespmem:s11+$0x10]  }
0x69: {  	v24 =	vadd.s32 $0x100, v26;
	v30 =	vadd.s32 $0x100, v22;
	v31 =	vadd.s32 v7, v17;
	v7 =	vld [tilespmem:s11+$0x20]  }
0x6a: {  	v28 =	vadd.s32 s13, v28;
	v14 =	vmul.f32 v20, v14;
	v32 =	vmul.f32 $2.560000000e+02, v1;
	v23 =	vld.idx.msk [tilespmem:v23+s6+$0x0], $0xffff  }
0x6b: {  	v22 =	vadd.s32 $0x200, v22;
	v17 =	vadd.s32 $0x100, v18;
	v34 =	vmul.f32 $2.560000000e+02, v3;
	v27 =	vld.idx.msk [tilespmem:v27+s6+$0x0], $0xffff  }
0x6c: {  	v19 =	vadd.f32 v14, v19;
	v14 =	vmul.f32 $2.560000000e+02, v2;
	v21 =	vld.idx.msk [tilespmem:v21+s6+$0x0], $0xffff;
	v32 =	vtrunc.f32 v32  }
0x6d: {  	v20 =	vadd.s32 $0x100, v29;
	v25 =	vld.idx.msk [tilespmem:v25+s6+$0x0], $0xffff;
	v35 =	vmul.f32 $2.560000000e+02, v4;
	v34 =	vtrunc.f32 v34  }
0x6e: {  	v18 =	vadd.s32 $0x200, v18;
	v24 =	vld.idx.msk [tilespmem:v24+s6+$0x0], $0xffff;
	v14 =	vtrunc.f32 v14;
	v37 =	vmul.f32 $2.560000000e+02, v5  }
0x6f: {  	v33 =	vadd.s32 $0x100, v31;
	v38 =	vld.idx.msk [tilespmem:v28+s6+$0x0], $0xffff;
	v32 =	vcvt.f32.s32 v32;
	v34 =	vcvt.f32.s32 v34  }
0x70: {  	v36 =	vld.idx.msk [tilespmem:v17+s6+$0x0], $0xffff;
	v17 =	vadd.s32 $0x200, v26;
	v26 =	vmul.f32 $2.560000000e+02, v8;
	v35 =	vtrunc.f32 v35  }
0x71: {  	v30 =	vld.idx.msk [tilespmem:v30+s6+$0x0], $0xffff;
	v14 =	vcvt.f32.s32 v14;
	v39 =	vmul.f32 $2.560000000e+02, v7  }
0x72: {  	v22 =	vld.idx.msk [tilespmem:v22+s6+$0x0], $0xffff;
	v32 =	vadd.s32 s13, v32;
	v35 =	vcvt.f32.s32 v35;
	v34 =	vadd.s32 s13, v34  }
0x73: {  	v20 =	vld.idx.msk [tilespmem:v20+s6+$0x0], $0xffff;
	v26 =	vtrunc.f32 v26;
	v40 =	vadd.s32 s13, v14;
	v14 =	vtrunc.f32 v37  }
0x74: {  	v29 =	vadd.s32 $0x200, v29;
	v18 =	vld.idx.msk [tilespmem:v18+s6+$0x0], $0xffff;
	v39 =	vtrunc.f32 v39;
	v23 =	vmul.f32 v23, v13  }
0x75: {  	v33 =	vld.idx.msk [tilespmem:v33+s6+$0x0], $0xffff;
	v26 =	vcvt.f32.s32 v26;
	v41 =	vcvt.f32.s32 v14;
	vm0 =	vlt.f32 v6, v38  }
0x76: {  	v59 =	vcvt.f32.s32 v39;
	v60 =	vsel vm0, $0xFFFFFFFF, v0;
	v58 =	vld.idx.msk [tilespmem:v17+s6+$0x0], $0xffff;
	v17 =	vadd.s32 s13, v35  }
0x77: {  	v14 =	vadd.s32 s13, v26;
	v13 =	vadd.s32 s13, v41;
	v26 =	vmul.f32 v27, v12;
	v27 =	vld.idx.msk [tilespmem:v32+s6+$0x0], $0xffff  }
0x78: {  	v36 =	vmul.f32 v36, v10;
	v10 =	vmul.f32 v20, v11;
	v11 =	vadd.f32 v23, v21;
	v61 =	vld.idx.msk [tilespmem:v34+s6+$0x0], $0xffff  }
0x79: {  	s15 =	simm.s32 $0x8C40;
	v16 =	vmul.f32 v24, v16;
	v12 =	vadd.s32 s13, v59;
	v28 =	vadd.s32 v60, v28;
	v24 =	vld.idx.msk [tilespmem:v40+s6+$0x0], $0xffff  }
0x7a: {  	v63 =	vadd.s32 $0x100, v28;
	[tilespmem:s15+$0xFFFFFFC0] =	vst v11;
	v11 =	vld.idx.msk [tilespmem:v29+s6+$0x0], $0xffff  }
0x7b: {  	v31 =	vadd.s32 $0x200, v31;
	v30 =	vmul.f32 v30, v9;
	v62 =	vld.idx.msk [tilespmem:v17+s6+$0x0], $0xffff  }
0x7c: {  	[tilespmem:s15+$0x30] =	vst v19;
	v9 =	vmul.f32 v33, v15;
	v15 =	vadd.f32 v26, v25;
	v25 =	vadd.s32 $0x200, v28;
	v23 =	vld.idx.msk [tilespmem:v14+s6+$0x0], $0xffff  }
0x7d: {  	s10 =	sshll.u32 s21, $0x2;
	v19 =	vadd.f32 v30, v22;
	v16 =	vadd.f32 v16, v58;
	v21 =	vld.idx.msk [tilespmem:v13+s6+$0x0], $0xffff;
	vm0 =	vlt.f32 v1, v27  }
0x7e: {  	s14 =	sadd.s32 s5, s10;
	v26 =	vadd.f32 v36, v18;
	[tilespmem:s15+$0xFFFFFFD0] =	vst v15;
	v22 =	vld.idx.msk [tilespmem:v12+s6+$0x0], $0xffff;
	v15 =	vsel vm0, $0xFFFFFFFF, v0;
	vm0 =	vlt.f32 v2, v24  }
0x7f: {  	s16 =	sshll.u32 s21, $0x6;
	s12 =	sshll.u32 s21, $0xC;
	s7 =	sshll.u32 s14, $0xA;
	v20 =	vld.idx.msk [tilespmem:v63+s6+$0x0], $0xffff;
	[tilespmem:s15+$0xFFFFFFE0] =	vst v16;
	v16 =	vadd.s32 v15, v32;
	v15 =	vsel vm0, $0xFFFFFFFF, v0;
	vm0 =	vlt.f32 v3, v61  }
0x80: {  	s9 =	simm.s32 $0xD40;
	s11 =	sand.u32 $0x40, s16;
	s16 =	simm.s32 $0x8C40;
	[tilespmem:s15+$0xFFFFFFF0] =	vst v19;
	v18 =	vadd.s32 v15, v40;
	v19 =	vsel vm0, $0xFFFFFFFF, v0;
	v15 =	vld.idx.msk [tilespmem:v31+s6+$0x0], $0xffff;
	vm0 =	vlt.f32 v4, v62  }
0x81: {  	s14 =	sor.u32 $0x10, s11;
	s13 =	sand.u32 $0x3FE000, s7;
	s7 =	simm.s32 $0x80;
	[tilespmem:s15+$0x0] =	vst v26;
	v19 =	vadd.s32 v19, v34;
	v24 =	vsel vm0, $0xFFFFFFFF, v0;
	vm0 =	vlt.f32 v8, v23;
	v23 =	vld.idx.msk [tilespmem:v25+s6+$0x0], $0xffff  }
.LBB2_3:
0x82: {  	v25 =	vld [tilespmem:s9+$0x30];
	v17 =	vadd.s32 v24, v17;
	v24 =	vsel vm0, $0xFFFFFFFF, v0;
	vm0 =	vlt.f32 v5, v21  }
0x83: {  	v21 =	vld [tilespmem:s9+$0xFFFFFFC0];
	v14 =	vadd.s32 v24, v14;
	v24 =	vsel vm0, $0xFFFFFFFF, v0;
	vm0 =	vlt.f32 v7, v22  }
0x84: {  	v26 =	vadd.s32 $0x100, v16;
	v22 =	vld [tilespmem:s9+$0xFFFFFFD0];
	v13 =	vadd.s32 v24, v13;
	v24 =	vsel vm0, $0xFFFFFFFF, v0  }
0x85: {  	v28 =	vadd.s32 $0x100, v18;
	v34 =	vmul.f32 v20, v6;
	v27 =	vld [tilespmem:s9+$0xFFFFFFE0];
	v12 =	vadd.s32 v24, v12  }
0x86: {  	v29 =	vadd.s32 $0x100, v17;
	v30 =	vadd.s32 $0x100, v14;
	v24 =	vadd.s32 $0x100, v19;
	v20 =	vld [tilespmem:s9+$0xFFFFFFF0]  }
0x87: {  	v33 =	vadd.s32 $0x100, v13;
	v23 =	vadd.f32 v34, v23;
	v31 =	vld [tilespmem:s9+$0x0];
	v32 =	vmul.f32 $2.560000000e+02, v25;
	v6 =	vmovc v25  }
0x88: {  	s7 =	sadd.s32 $0x80, s7;
	v16 =	vadd.s32 $0x200, v16;
	s15 =	sadd.s32 $0x80, s15;
	v35 =	vadd.s32 $0x100, v12;
	v25 =	vmul.f32 $2.560000000e+02, v21;
	v34 =	vld [tilespmem:s9+$0x10]  }
0x89: {  	v18 =	vadd.s32 $0x200, v18;
	s0 =	sshrl.u32 s7, $0xD;
	p1 =	slt.u32 s7, $0x3F80;
	v36 =	vmul.f32 $2.560000000e+02, v22;
	v37 =	vld [tilespmem:s9+$0x20];
	v32 =	vtrunc.f32 v32;
	[tilespmem:s15+$0x30] =	vst v23  }
0x8a: {  	s0 =	smul.u32 $0x300, s0;
	v19 =	vadd.s32 $0x200, v19;
	v23 =	vmul.f32 $2.560000000e+02, v27;
	v32 =	vcvt.f32.s32 v32;
	v26 =	vld.idx.msk [tilespmem:v26+s6+$0x0], $0xffff  }
0x8b: {  	v39 =	vadd.s32 $0x200, v17;
	v25 =	vtrunc.f32 v25;
	v38 =	vmul.f32 $2.560000000e+02, v20;
	v28 =	vld.idx.msk [tilespmem:v28+s6+$0x0], $0xffff  }
0x8c: {  	v17 =	vtrunc.f32 v36;
	v36 =	vmul.f32 $2.560000000e+02, v31;
	v32 =	vadd.s32 s0, v32;
	v24 =	vld.idx.msk [tilespmem:v24+s6+$0x0], $0xffff  }
0x8d: {  	v41 =	vadd.s32 $0x200, v14;
	v23 =	vtrunc.f32 v23;
	v40 =	vmul.f32 $2.560000000e+02, v34;
	v29 =	vld.idx.msk [tilespmem:v29+s6+$0x0], $0xffff  }
0x8e: {  	v42 =	vadd.s32 $0x200, v13;
	v14 =	vtrunc.f32 v38;
	v38 =	vmul.f32 $2.560000000e+02, v37;
	v30 =	vld.idx.msk [tilespmem:v30+s6+$0x0], $0xffff  }
0x8f: {  	v13 =	vtrunc.f32 v36;
	v36 =	vtrunc.f32 v40;
	v33 =	vld.idx.msk [tilespmem:v33+s6+$0x0], $0xffff;
	v40 =	vadd.s32 $0x200, v12  }
0x90: {  	v10 =	vadd.f32 v10, v11;
	v12 =	vcvt.f32.s32 v25;
	v25 =	vtrunc.f32 v38;
	v35 =	vld.idx.msk [tilespmem:v35+s6+$0x0], $0xffff  }
0x91: {  	v9 =	vadd.f32 v9, v15;
	v11 =	vcvt.f32.s32 v17;
	v17 =	vcvt.f32.s32 v23;
	v23 =	vld.idx.msk [tilespmem:v32+s6+$0x0], $0xffff  }
0x92: {  	v13 =	vcvt.f32.s32 v13;
	v15 =	vadd.s32 s0, v12;
	v12 =	vcvt.f32.s32 v14;
	v16 =	vld.idx.msk [tilespmem:v16+s6+$0x0], $0xffff;
	[tilespmem:s16+$0x10] =	vst v10  }
0x93: {  	v38 =	vadd.s32 s0, v11;
	v11 =	vcvt.f32.s32 v25;
	v10 =	vcvt.f32.s32 v36;
	v18 =	vld.idx.msk [tilespmem:v18+s6+$0x0], $0xffff;
	[tilespmem:s16+$0x20] =	vst v9;
	s16 =	smov.u32 s15  }
0x94: {  	v25 =	vadd.s32 s0, v17;
	v14 =	vadd.s32 s0, v13;
	v17 =	vadd.s32 s0, v12;
	v19 =	vld.idx.msk [tilespmem:v19+s6+$0x0], $0xffff  }
0x95: {  	v12 =	vadd.s32 s0, v11;
	v11 =	vmul.f32 v26, v1;
	v1 =	vmovc v21;
	v13 =	vadd.s32 s0, v10;
	v26 =	vld.idx.msk [tilespmem:v39+s6+$0x0], $0xffff  }
0x96: {  	v24 =	vmul.f32 v24, v3;
	v3 =	vmovc v27;
	v21 =	vmul.f32 v28, v2;
	v2 =	vmov v22;
	v28 =	vld.idx.msk [tilespmem:v41+s6+$0x0], $0xffff  }
0x97: {  	v27 =	vmul.f32 v30, v8;
	vm0 =	vlt.f32 v6, v23;
	v23 =	vmul.f32 v29, v4;
	v22 =	vld.idx.msk [tilespmem:v15+s6+$0x0], $0xffff  }
0x98: {  	v10 =	vmul.f32 v33, v5;
	v9 =	vmul.f32 v35, v7;
	v4 =	vmovc v20;
	v36 =	vsel vm0, $0xFFFFFFFF, v0;
	v29 =	vld.idx.msk [tilespmem:v38+s6+$0x0], $0xffff  }
0x99: {  	v11 =	vadd.f32 v11, v16;
	v30 =	vadd.s32 v36, v32;
	v16 =	vadd.f32 v21, v18;
	v20 =	vld.idx.msk [tilespmem:v25+s6+$0x0], $0xffff  }
0x9a: {  	v8 =	vmovc v31;
	v5 =	vmovc v34;
	v7 =	vmov v37;
	v18 =	vadd.s32 $0x100, v30;
	v19 =	vadd.f32 v24, v19;
	v32 =	vld.idx.msk [tilespmem:v17+s6+$0x0], $0xffff  }
0x9b: {  	v31 =	vld.idx.msk [tilespmem:v14+s6+$0x0], $0xffff;
	[tilespmem:s15+$0xFFFFFFC0] =	vst v11;
	v11 =	vadd.f32 v23, v26  }
0x9c: {  	v23 =	vadd.s32 $0x200, v30;
	v24 =	vadd.f32 v27, v28;
	v21 =	vld.idx.msk [tilespmem:v13+s6+$0x0], $0xffff;
	[tilespmem:s15+$0xFFFFFFD0] =	vst v16  }
.Ltmp2:
0x9d: {  	vm0 =	vlt.f32 v1, v22;
	v22 =	vld.idx.msk [tilespmem:v12+s6+$0x0], $0xffff;
	[tilespmem:s15+$0xFFFFFFE0] =	vst v19;
	(pc) =	sbr.rel @p1 .LBB2_3-.Ltmp2, $4  }
0x9e: {  	v16 =	vsel vm0, $0xFFFFFFFF, v0;
	vm0 =	vlt.f32 v2, v29;
	[tilespmem:s15+$0xFFFFFFF0] =	vst v11;
	v11 =	vld.idx.msk [tilespmem:v42+s6+$0x0], $0xffff  }
0x9f: {  	v16 =	vadd.s32 v16, v15;
	v15 =	vsel vm0, $0xFFFFFFFF, v0;
	vm0 =	vlt.f32 v3, v20;
	v20 =	vld.idx.msk [tilespmem:v18+s6+$0x0], $0xffff;
	[tilespmem:s15+$0x0] =	vst v24  }
0xa0: {  	v18 =	vadd.s32 v15, v38;
	v19 =	vsel vm0, $0xFFFFFFFF, v0;
	vm0 =	vlt.f32 v4, v32;
	v15 =	vld.idx.msk [tilespmem:v40+s6+$0x0], $0xffff  }
0xa1: {  	s9 =	sadd.s32 $0x80, s9;
	v19 =	vadd.s32 v19, v25;
	v24 =	vsel vm0, $0xFFFFFFFF, v0;
	vm0 =	vlt.f32 v8, v31;
	v23 =	vld.idx.msk [tilespmem:v23+s6+$0x0], $0xffff  }
0xa2: {  	v25 =	vadd.s32 $0x100, v16  }
0xa3: {  	v17 =	vadd.s32 v24, v17;
	v26 =	vadd.s32 $0x100, v18  }
0xa4: {  	v24 =	vsel vm0, $0xFFFFFFFF, v0;
	vm0 =	vlt.f32 v5, v21;
	v21 =	vadd.s32 $0x100, v19  }
0xa5: {  	v16 =	vadd.s32 $0x200, v16  }
0xa6: {  	v18 =	vadd.s32 $0x200, v18  }
0xa7: {  	v19 =	vadd.s32 $0x200, v19;
	v14 =	vadd.s32 v24, v14;
	v25 =	vld.idx.msk [tilespmem:v25+s6+$0x0], $0xffff  }
0xa8: {  	v24 =	vsel vm0, $0xFFFFFFFF, v0;
	vm0 =	vlt.f32 v7, v22;
	v22 =	vadd.s32 $0x100, v17;
	v26 =	vld.idx.msk [tilespmem:v26+s6+$0x0], $0xffff  }
0xa9: {  	v17 =	vadd.s32 $0x200, v17;
	v21 =	vld.idx.msk [tilespmem:v21+s6+$0x0], $0xffff  }
0xaa: {  	v27 =	vadd.s32 $0x100, v14;
	v16 =	vld.idx.msk [tilespmem:v16+s6+$0x0], $0xffff  }
0xab: {  	v13 =	vadd.s32 v24, v13;
	v24 =	vsel vm0, $0xFFFFFFFF, v0;
	v14 =	vadd.s32 $0x200, v14;
	v18 =	vld.idx.msk [tilespmem:v18+s6+$0x0], $0xffff  }
0xac: {  	v6 =	vmul.f32 v20, v6;
	v12 =	vadd.s32 v24, v12;
	v24 =	vadd.s32 $0x100, v13;
	v19 =	vld.idx.msk [tilespmem:v19+s6+$0x0], $0xffff  }
0xad: {  	v28 =	vadd.s32 $0x100, v12;
	v22 =	vld.idx.msk [tilespmem:v22+s6+$0x0], $0xffff  }
0xae: {  	v10 =	vadd.f32 v10, v11;
	v13 =	vadd.s32 $0x200, v13;
	v6 =	vadd.f32 v6, v23;
	v11 =	vld.idx.msk [tilespmem:v17+s6+$0x0], $0xffff  }
0xaf: {  	s0 =	sadd.s32 $0x80, s15;
	v12 =	vadd.s32 $0x200, v12;
	v27 =	vld.idx.msk [tilespmem:v27+s6+$0x0], $0xffff  }
0xb0: {  	[tilespmem:s0+$0x30] =	vst v6;
	v6 =	vadd.f32 v9, v15;
	v9 =	vld.idx.msk [tilespmem:v14+s6+$0x0], $0xffff  }
0xb1: {  	v24 =	vld.idx.msk [tilespmem:v24+s6+$0x0], $0xffff;
	v1 =	vmul.f32 v25, v1  }
0xb2: {  	v28 =	vld.idx.msk [tilespmem:v28+s6+$0x0], $0xffff;
	v2 =	vmul.f32 v26, v2  }
0xb3: {  	[tilespmem:s16+$0x10] =	vst v10;
	v10 =	vld.idx.msk [tilespmem:v13+s6+$0x0], $0xffff;
	v3 =	vmul.f32 v21, v3;
	v1 =	vadd.f32 v1, v16  }
0xb4: {  	[tilespmem:s16+$0x20] =	vst v6;
	v6 =	vld.idx.msk [tilespmem:v12+s6+$0x0], $0xffff;
	v4 =	vmul.f32 v22, v4;
	v2 =	vadd.f32 v2, v18  }
0xb5: {  	v8 =	vmul.f32 v27, v8;
	v3 =	vadd.f32 v3, v19;
	[tilespmem:s0+$0xFFFFFFC0] =	vst v1  }
0xb6: {  	v4 =	vadd.f32 v4, v11;
	v1 =	vmul.f32 v24, v5;
	[tilespmem:s0+$0xFFFFFFD0] =	vst v2  }
0xb7: {  	v2 =	vmul.f32 v28, v7;
	v5 =	vadd.f32 v8, v9;
	[tilespmem:s0+$0xFFFFFFE0] =	vst v3  }
0xb8: {  	[tilespmem:s0+$0xFFFFFFF0] =	vst v4;
	v1 =	vadd.f32 v1, v10  }
0xb9: {  	[tilespmem:s0+$0x0] =	vst v5;
	v2 =	vadd.f32 v2, v6  }
0xba: {  	s7 =	sadd.s32 s4, s11;
	[tilespmem:s0+$0x10] =	vst v1  }
0xbb: {  	s15 =	sadd.s32 s4, s14;
	s9 =	sadd.s32 s13, s7;
	[tilespmem:s0+$0x20] =	vst v2  }
0xbc: {  	[hbm4b:s9+s17] =	stream.strided.scatter [tilespmem:s28], [sflag:$0x3], $0x2000, s18, s17, $0x38;
	[tilespmem:$0x10C00] =	vst v63  }
0xbd: {  	p1 =	seq.s32 s21, $0x1F;
	s0 =	sadd.s32 s13, s15  }
0xbe: {  	[hbm4b:s0+s17] =	stream.strided.scatter [tilespmem:s29], [sflag:$0x3], $0x2000, s18, s17, $0x38;
	[tilespmem:$0x10C00] =	vst v63  }
0xbf: {  	s0 =	sadd.s32 @!p1 $0x4, s10  }
0xc0: {  	s7 =	sadd.s32 @!p1 s5, s0  }
0xc1: {  	s7 =	sshrl.u32 @!p1 s7, $0x3  }
0xc2: {  	s0 =	sshll.u32 @!p1 s0, $0x7;
	s9 =	smul.u32 @!p1 $0x1800, s7  }
0xc3: {  	s0 =	sand.u32 @!p1 $0x200, s0  }
0xc4: {  	s13 =	sor.u32 @!p1 s0, s9  }
0xc5: {  	s14 =	simm.s32 @!p1 $0x80;
	s16 =	simm.s32 @!p1 $0x0;
	s13 =	sshrl.u32 @!p1 s13, $0x3  }
0xc6: {  	s15 =	simm.s32 @!p1 $0x400;
	s7 =	sshll.u32 @!p1 s7, $0x10;
	s13 =	sadd.s32 @!p1 s1, s13  }
0xc7: {  	[tilespmem:s16], [sflag:$0x1] =	stream.strided.gather @!p1 [hbm4b:s13+s14], $0x300, s15, s14, $0x38;
	[tilespmem:$0x10C00] =	vst v63  }
0xc8: {  	s13 =	sor.u32 @!p1 s0, s7;
	s0 =	sor.u32 @!p1 $0x80, s0  }
0xc9: {  	s16 =	simm.s32 @!p1 $0xC00;
	s13 =	sshrl.u32 @!p1 s13, $0x3;
	s9 =	sor.u32 @!p1 s0, s9  }
0xca: {  	s0 =	sor.u32 @!p1 s0, s7;
	s13 =	sadd.s32 @!p1 s3, s13;
	s9 =	sshrl.u32 @!p1 s9, $0x3  }
0xcb: {  	[tilespmem:s16], [sflag:$0x1] =	stream.strided.gather @!p1 [hbm4b:s13+s14], $0x2000, s15, s14, $0x38;
	[tilespmem:$0x10C00] =	vst v63  }
0xcc: {  	s0 =	sshrl.u32 @!p1 s0, $0x3;
	s9 =	sadd.s32 @!p1 s1, s9;
	s13 =	simm.s32 @!p1 $0x300  }
0xcd: {  	[tilespmem:s13], [sflag:$0x1] =	stream.strided.gather @!p1 [hbm4b:s9+s14], $0x300, s15, s14, $0x38;
	[tilespmem:$0x10C00] =	vst v63  }
0xce: {  	s7 =	simm.s32 @!p1 $0x2C00;
	s0 =	sadd.s32 @!p1 s3, s0  }
0xcf: {  	[tilespmem:s7], [sflag:$0x1] =	stream.strided.gather @!p1 [hbm4b:s0+s14], $0x2000, s15, s14, $0x38;
	[tilespmem:$0x10C00] =	vst v63  }
0xd0: {  	_ =	swait.ge [sflag:s30], $0x300  }
0xd1: {  	[sflag:s30] =	ssyncset.done $0x0  }
0xd2: {  	[sflag:s30] =	ssyncadd.s32 $0xFFFFFD00  }
0xd3: {  	_ =	swait.ge [sflag:s30], $0x2000  }
0xd4: {  	[sflag:s30] =	ssyncset.done $0x0  }
0xd5: {  	[sflag:s30] =	ssyncadd.s32 $0xFFFFE000  }
0xd6: {  	_ =	swait.ge [sflag:s30], $0x300  }
0xd7: {  	[sflag:s30] =	ssyncset.done $0x0  }
0xd8: {  	[sflag:s30] =	ssyncadd.s32 $0xFFFFFD00  }
0xd9: {  	_ =	swait.ge [sflag:s30], $0x2000  }
0xda: {  	[sflag:s30] =	ssyncset.done $0x0  }
0xdb: {  	s0 =	simm.s32 @!p0 $0x4;
	[sflag:s30] =	ssyncadd.s32 $0xFFFFE000  }
0xdc: {  	_ =	swait.ge @!p0 [sflag:s0], $0x2000  }
0xdd: {  	[sflag:s0] =	ssyncset.done @!p0 $0x0  }
0xde: {  	[sflag:s0] =	ssyncadd.s32 @!p0 $0xFFFFE000  }
0xdf: {  	_ =	swait.ge @!p0 [sflag:s0], $0x2000  }
0xe0: {  	[sflag:s0] =	ssyncset.done @!p0 $0x0  }
0xe1: {  	s16 =	simm.s32 $0x4C40;
	[sflag:s0] =	ssyncadd.s32 @!p0 $0xFFFFE000  }
0xe2: {  	v16 =	vld [tilespmem:s16+$0x30];
	_ =	sdelay $0x1  }
0xe3: {  	v13 =	vld [tilespmem:s16+$0xFFFFFFC0];
	_ =	sdelay $0x1  }
0xe4: {  	v12 =	vld [tilespmem:s16+$0xFFFFFFD0]  }
0xe5: {  	v15 =	vld [tilespmem:s16+$0xFFFFFFE0];
	v1 =	vmul.f32 $2.560000000e+02, v16  }
0xe6: {  	v9 =	vld [tilespmem:s16+$0xFFFFFFF0]  }
0xe7: {  	s9 =	simm.s32 $0x0;
	v10 =	vld [tilespmem:s16+$0x0];
	v2 =	vmul.f32 $2.560000000e+02, v13;
	v1 =	vtrunc.f32 v1  }
0xe8: {  	s7 =	smul.u32 $0x300, s9;
	v11 =	vld [tilespmem:s16+$0x10];
	v1 =	vcvt.f32.s32 v1  }
0xe9: {  	v2 =	vtrunc.f32 v2  }
0xea: {  	v2 =	vcvt.f32.s32 v2;
	v1 =	vadd.s32 s7, v1  }
0xeb: {  	v3 =	vmul.f32 $2.560000000e+02, v12;
	v4 =	vmul.f32 $2.560000000e+02, v15  }
0xec: {  	v14 =	vld [tilespmem:s16+$0x20];
	v5 =	vmul.f32 $2.560000000e+02, v9;
	v6 =	vmul.f32 $2.560000000e+02, v10;
	v2 =	vadd.s32 s7, v2  }
0xed: {  	v7 =	vmul.f32 $2.560000000e+02, v11;
	v3 =	vtrunc.f32 v3  }
0xee: {  	v6 =	vtrunc.f32 v6;
	v3 =	vcvt.f32.s32 v3  }
0xef: {  	v4 =	vtrunc.f32 v4;
	v6 =	vcvt.f32.s32 v6;
	v8 =	vld.idx.msk [tilespmem:v1+s22+$0x0], $0xffff  }
0xf0: {  	v5 =	vtrunc.f32 v5;
	v4 =	vcvt.f32.s32 v4;
	v3 =	vadd.s32 s7, v3  }
0xf1: {  	v17 =	vmul.f32 $2.560000000e+02, v14;
	v5 =	vcvt.f32.s32 v5;
	v18 =	vadd.s32 s7, v6;
	v6 =	vld.idx.msk [tilespmem:v2+s22+$0x0], $0xffff  }
0xf2: {  	v7 =	vtrunc.f32 v7;
	v4 =	vadd.s32 s7, v4  }
0xf3: {  	v17 =	vtrunc.f32 v17;
	v7 =	vcvt.f32.s32 v7;
	v5 =	vadd.s32 s7, v5  }
0xf4: {  	v17 =	vcvt.f32.s32 v17;
	vm0 =	vlt.f32 v16, v8  }
0xf5: {  	s13 =	simm.s32 $0x4CC0;
	v7 =	vadd.s32 s7, v7;
	v19 =	vld.idx.msk [tilespmem:v3+s22+$0x0], $0xffff;
	v8 =	vsel vm0, $0xFFFFFFFF, v0  }
0xf6: {  	v17 =	vadd.s32 s7, v17;
	vm0 =	vlt.f32 v13, v6;
	v6 =	vld [tilespmem:s13+$0x30];
	v1 =	vadd.s32 v8, v1  }
0xf7: {  	v8 =	vld.idx.msk [tilespmem:v4+s22+$0x0], $0xffff;
	v20 =	vadd.s32 $0x100, v1;
	v1 =	vadd.s32 $0x200, v1  }
0xf8: {  	v21 =	vld.idx.msk [tilespmem:v5+s22+$0x0], $0xffff  }
0xf9: {  	v22 =	vld.idx.msk [tilespmem:v18+s22+$0x0], $0xffff  }
0xfa: {  	v23 =	vld.idx.msk [tilespmem:v7+s22+$0x0], $0xffff  }
0xfb: {  	v24 =	vld.idx.msk [tilespmem:v17+s22+$0x0], $0xffff;
	v25 =	vsel vm0, $0xFFFFFFFF, v0;
	vm0 =	vlt.f32 v12, v19  }
0xfc: {  	v57 =	vmul.f32 $2.560000000e+02, v6;
	vm1 =	vlt.f32 v15, v8;
	v19 =	vld.idx.msk [tilespmem:v1+s22+$0x0], $0xffff;
	v1 =	vsel vm0, $0xFFFFFFFF, v0  }
0xfd: {  	v20 =	vld.idx.msk [tilespmem:v20+s22+$0x0], $0xffff;
	v8 =	vsel vm1, $0xFFFFFFFF, v0;
	vm0 =	vlt.f32 v9, v21;
	v21 =	vadd.s32 v25, v2  }
0xfe: {  	v28 =	vtrunc.f32 v57;
	v25 =	vadd.s32 v1, v3;
	v2 =	vsel vm0, $0xFFFFFFFF, v0;
	v1 =	vld [tilespmem:s13+$0xFFFFFFC0]  }
0xff: {  	v26 =	vadd.s32 v8, v4;
	vm0 =	vlt.f32 v10, v22;
	v3 =	vld [tilespmem:s13+$0xFFFFFFE0];
	v28 =	vcvt.f32.s32 v28  }
0x100: {  	v8 =	vld [tilespmem:s13+$0x0];
	v4 =	vsel vm0, $0xFFFFFFFF, v0;
	vm0 =	vlt.f32 v11, v23;
	v23 =	vadd.s32 $0x100, v21  }
0x101: {  	v22 =	vadd.s32 v2, v5;
	v2 =	vld [tilespmem:s13+$0xFFFFFFD0];
	v27 =	vadd.s32 $0x100, v25;
	v21 =	vadd.s32 $0x200, v21  }
0x102: {  	s14 =	simm.s32 $0x0;
	v18 =	vadd.s32 v4, v18;
	v5 =	vsel vm0, $0xFFFFFFFF, v0;
	v4 =	vld [tilespmem:s13+$0xFFFFFFF0];
	vm0 =	vlt.f32 v14, v24  }
0x103: {  	s15 =	smul.u32 $0x300, s14;
	v25 =	vadd.s32 $0x200, v25;
	v29 =	vadd.s32 v5, v7;
	v7 =	vsel vm0, $0xFFFFFFFF, v0;
	v5 =	vld [tilespmem:s13+$0x10]  }
0x104: {  	v24 =	vadd.s32 $0x100, v26;
	v30 =	vadd.s32 $0x100, v22;
	v31 =	vadd.s32 v7, v17;
	v7 =	vld [tilespmem:s13+$0x20]  }
0x105: {  	v28 =	vadd.s32 s15, v28;
	v16 =	vmul.f32 v20, v16;
	v32 =	vmul.f32 $2.560000000e+02, v1;
	v23 =	vld.idx.msk [tilespmem:v23+s22+$0x0], $0xffff  }
0x106: {  	v22 =	vadd.s32 $0x200, v22;
	v17 =	vadd.s32 $0x100, v18;
	v34 =	vmul.f32 $2.560000000e+02, v3;
	v27 =	vld.idx.msk [tilespmem:v27+s22+$0x0], $0xffff  }
0x107: {  	v19 =	vadd.f32 v16, v19;
	v16 =	vmul.f32 $2.560000000e+02, v2;
	v21 =	vld.idx.msk [tilespmem:v21+s22+$0x0], $0xffff;
	v32 =	vtrunc.f32 v32  }
0x108: {  	v20 =	vadd.s32 $0x100, v29;
	v25 =	vld.idx.msk [tilespmem:v25+s22+$0x0], $0xffff;
	v35 =	vmul.f32 $2.560000000e+02, v4;
	v34 =	vtrunc.f32 v34  }
0x109: {  	v18 =	vadd.s32 $0x200, v18;
	v24 =	vld.idx.msk [tilespmem:v24+s22+$0x0], $0xffff;
	v16 =	vtrunc.f32 v16;
	v37 =	vmul.f32 $2.560000000e+02, v5  }
0x10a: {  	v33 =	vadd.s32 $0x100, v31;
	v38 =	vld.idx.msk [tilespmem:v28+s22+$0x0], $0xffff;
	v32 =	vcvt.f32.s32 v32;
	v34 =	vcvt.f32.s32 v34  }
0x10b: {  	v36 =	vld.idx.msk [tilespmem:v17+s22+$0x0], $0xffff;
	v17 =	vadd.s32 $0x200, v26;
	v26 =	vmul.f32 $2.560000000e+02, v8;
	v35 =	vtrunc.f32 v35  }
0x10c: {  	v30 =	vld.idx.msk [tilespmem:v30+s22+$0x0], $0xffff;
	v16 =	vcvt.f32.s32 v16;
	v39 =	vmul.f32 $2.560000000e+02, v7  }
0x10d: {  	v22 =	vld.idx.msk [tilespmem:v22+s22+$0x0], $0xffff;
	v32 =	vadd.s32 s15, v32;
	v35 =	vcvt.f32.s32 v35;
	v34 =	vadd.s32 s15, v34  }
0x10e: {  	v20 =	vld.idx.msk [tilespmem:v20+s22+$0x0], $0xffff;
	v26 =	vtrunc.f32 v26;
	v40 =	vadd.s32 s15, v16;
	v16 =	vtrunc.f32 v37  }
0x10f: {  	v29 =	vadd.s32 $0x200, v29;
	v18 =	vld.idx.msk [tilespmem:v18+s22+$0x0], $0xffff;
	v39 =	vtrunc.f32 v39;
	v23 =	vmul.f32 v23, v13  }
0x110: {  	v33 =	vld.idx.msk [tilespmem:v33+s22+$0x0], $0xffff;
	v26 =	vcvt.f32.s32 v26;
	v41 =	vcvt.f32.s32 v16;
	vm0 =	vlt.f32 v6, v38  }
0x111: {  	v59 =	vcvt.f32.s32 v39;
	v60 =	vsel vm0, $0xFFFFFFFF, v0;
	v58 =	vld.idx.msk [tilespmem:v17+s22+$0x0], $0xffff;
	v17 =	vadd.s32 s15, v35  }
0x112: {  	v16 =	vadd.s32 s15, v26;
	v13 =	vadd.s32 s15, v41;
	v26 =	vmul.f32 v27, v12;
	v27 =	vld.idx.msk [tilespmem:v32+s22+$0x0], $0xffff  }
0x113: {  	v36 =	vmul.f32 v36, v10;
	v10 =	vmul.f32 v20, v11;
	v11 =	vadd.f32 v23, v21;
	v61 =	vld.idx.msk [tilespmem:v34+s22+$0x0], $0xffff  }
0x114: {  	s14 =	simm.s32 $0xCC40;
	v15 =	vmul.f32 v24, v15;
	v12 =	vadd.s32 s15, v59;
	v28 =	vadd.s32 v60, v28;
	v24 =	vld.idx.msk [tilespmem:v40+s22+$0x0], $0xffff  }
0x115: {  	v63 =	vadd.s32 $0x100, v28;
	[tilespmem:s14+$0xFFFFFFC0] =	vst v11;
	v11 =	vld.idx.msk [tilespmem:v29+s22+$0x0], $0xffff  }
0x116: {  	v31 =	vadd.s32 $0x200, v31;
	v30 =	vmul.f32 v30, v9;
	v62 =	vld.idx.msk [tilespmem:v17+s22+$0x0], $0xffff  }
0x117: {  	[tilespmem:s14+$0x30] =	vst v19;
	v9 =	vmul.f32 v33, v14;
	v14 =	vadd.f32 v26, v25;
	v25 =	vadd.s32 $0x200, v28;
	v23 =	vld.idx.msk [tilespmem:v16+s22+$0x0], $0xffff  }
0x118: {  	v19 =	vadd.f32 v30, v22;
	v15 =	vadd.f32 v15, v58;
	v21 =	vld.idx.msk [tilespmem:v13+s22+$0x0], $0xffff;
	vm0 =	vlt.f32 v1, v27  }
0x119: {  	v26 =	vadd.f32 v36, v18;
	[tilespmem:s14+$0xFFFFFFD0] =	vst v14;
	v22 =	vld.idx.msk [tilespmem:v12+s22+$0x0], $0xffff;
	v14 =	vsel vm0, $0xFFFFFFFF, v0;
	vm0 =	vlt.f32 v2, v24  }
0x11a: {  	s16 =	sand.u32 $0x1E000, s12;
	v20 =	vld.idx.msk [tilespmem:v63+s22+$0x0], $0xffff;
	[tilespmem:s14+$0xFFFFFFE0] =	vst v15;
	v15 =	vadd.s32 v14, v32;
	v14 =	vsel vm0, $0xFFFFFFFF, v0;
	vm0 =	vlt.f32 v3, v61  }
0x11b: {  	s9 =	simm.s32 $0x4D40;
	s12 =	sor.u32 s8, s16;
	s7 =	simm.s32 $0x80;
	[tilespmem:s14+$0xFFFFFFF0] =	vst v19;
	v18 =	vadd.s32 v14, v40;
	v19 =	vsel vm0, $0xFFFFFFFF, v0;
	v14 =	vld.idx.msk [tilespmem:v31+s22+$0x0], $0xffff;
	vm0 =	vlt.f32 v4, v62  }
0x11c: {  	s13 =	sor.u32 $0x20, s11;
	s11 =	sor.u32 $0x30, s11;
	s15 =	simm.s32 $0xCC40;
	[tilespmem:s14+$0x0] =	vst v26;
	v19 =	vadd.s32 v19, v34;
	v24 =	vsel vm0, $0xFFFFFFFF, v0;
	vm0 =	vlt.f32 v8, v23;
	v23 =	vld.idx.msk [tilespmem:v25+s22+$0x0], $0xffff  }
.LBB2_5:
0x11d: {  	v25 =	vld [tilespmem:s9+$0x30];
	v17 =	vadd.s32 v24, v17;
	v24 =	vsel vm0, $0xFFFFFFFF, v0;
	vm0 =	vlt.f32 v5, v21  }
0x11e: {  	v21 =	vld [tilespmem:s9+$0xFFFFFFC0];
	v16 =	vadd.s32 v24, v16;
	v24 =	vsel vm0, $0xFFFFFFFF, v0;
	vm0 =	vlt.f32 v7, v22  }
0x11f: {  	v26 =	vadd.s32 $0x100, v15;
	v22 =	vld [tilespmem:s9+$0xFFFFFFD0];
	v13 =	vadd.s32 v24, v13;
	v24 =	vsel vm0, $0xFFFFFFFF, v0  }
0x120: {  	v28 =	vadd.s32 $0x100, v18;
	v34 =	vmul.f32 v20, v6;
	v27 =	vld [tilespmem:s9+$0xFFFFFFE0];
	v12 =	vadd.s32 v24, v12  }
0x121: {  	v29 =	vadd.s32 $0x100, v17;
	v30 =	vadd.s32 $0x100, v16;
	v24 =	vadd.s32 $0x100, v19;
	v20 =	vld [tilespmem:s9+$0xFFFFFFF0]  }
0x122: {  	v33 =	vadd.s32 $0x100, v13;
	v23 =	vadd.f32 v34, v23;
	v31 =	vld [tilespmem:s9+$0x0];
	v32 =	vmul.f32 $2.560000000e+02, v25;
	v6 =	vmovc v25  }
0x123: {  	s7 =	sadd.s32 $0x80, s7;
	v15 =	vadd.s32 $0x200, v15;
	s14 =	sadd.s32 $0x80, s14;
	v35 =	vadd.s32 $0x100, v12;
	v25 =	vmul.f32 $2.560000000e+02, v21;
	v34 =	vld [tilespmem:s9+$0x10]  }
0x124: {  	v18 =	vadd.s32 $0x200, v18;
	s0 =	sshrl.u32 s7, $0xD;
	p0 =	slt.u32 s7, $0x3F80;
	v36 =	vmul.f32 $2.560000000e+02, v22;
	v37 =	vld [tilespmem:s9+$0x20];
	v32 =	vtrunc.f32 v32;
	[tilespmem:s14+$0x30] =	vst v23  }
0x125: {  	s0 =	smul.u32 $0x300, s0;
	v19 =	vadd.s32 $0x200, v19;
	v23 =	vmul.f32 $2.560000000e+02, v27;
	v32 =	vcvt.f32.s32 v32;
	v26 =	vld.idx.msk [tilespmem:v26+s22+$0x0], $0xffff  }
0x126: {  	v39 =	vadd.s32 $0x200, v17;
	v25 =	vtrunc.f32 v25;
	v38 =	vmul.f32 $2.560000000e+02, v20;
	v28 =	vld.idx.msk [tilespmem:v28+s22+$0x0], $0xffff  }
0x127: {  	v17 =	vtrunc.f32 v36;
	v36 =	vmul.f32 $2.560000000e+02, v31;
	v32 =	vadd.s32 s0, v32;
	v24 =	vld.idx.msk [tilespmem:v24+s22+$0x0], $0xffff  }
0x128: {  	v41 =	vadd.s32 $0x200, v16;
	v23 =	vtrunc.f32 v23;
	v40 =	vmul.f32 $2.560000000e+02, v34;
	v29 =	vld.idx.msk [tilespmem:v29+s22+$0x0], $0xffff  }
0x129: {  	v42 =	vadd.s32 $0x200, v13;
	v16 =	vtrunc.f32 v38;
	v38 =	vmul.f32 $2.560000000e+02, v37;
	v30 =	vld.idx.msk [tilespmem:v30+s22+$0x0], $0xffff  }
0x12a: {  	v13 =	vtrunc.f32 v36;
	v36 =	vtrunc.f32 v40;
	v33 =	vld.idx.msk [tilespmem:v33+s22+$0x0], $0xffff;
	v40 =	vadd.s32 $0x200, v12  }
0x12b: {  	v10 =	vadd.f32 v10, v11;
	v12 =	vcvt.f32.s32 v25;
	v25 =	vtrunc.f32 v38;
	v35 =	vld.idx.msk [tilespmem:v35+s22+$0x0], $0xffff  }
0x12c: {  	v9 =	vadd.f32 v9, v14;
	v11 =	vcvt.f32.s32 v17;
	v17 =	vcvt.f32.s32 v23;
	v23 =	vld.idx.msk [tilespmem:v32+s22+$0x0], $0xffff  }
0x12d: {  	v13 =	vcvt.f32.s32 v13;
	v14 =	vadd.s32 s0, v12;
	v12 =	vcvt.f32.s32 v16;
	v15 =	vld.idx.msk [tilespmem:v15+s22+$0x0], $0xffff;
	[tilespmem:s15+$0x10] =	vst v10  }
0x12e: {  	v38 =	vadd.s32 s0, v11;
	v11 =	vcvt.f32.s32 v25;
	v10 =	vcvt.f32.s32 v36;
	v18 =	vld.idx.msk [tilespmem:v18+s22+$0x0], $0xffff;
	[tilespmem:s15+$0x20] =	vst v9;
	s15 =	smov.u32 s14  }
0x12f: {  	v25 =	vadd.s32 s0, v17;
	v16 =	vadd.s32 s0, v13;
	v17 =	vadd.s32 s0, v12;
	v19 =	vld.idx.msk [tilespmem:v19+s22+$0x0], $0xffff  }
0x130: {  	v12 =	vadd.s32 s0, v11;
	v11 =	vmul.f32 v26, v1;
	v1 =	vmovc v21;
	v13 =	vadd.s32 s0, v10;
	v26 =	vld.idx.msk [tilespmem:v39+s22+$0x0], $0xffff  }
0x131: {  	v24 =	vmul.f32 v24, v3;
	v3 =	vmovc v27;
	v21 =	vmul.f32 v28, v2;
	v2 =	vmov v22;
	v28 =	vld.idx.msk [tilespmem:v41+s22+$0x0], $0xffff  }
0x132: {  	v27 =	vmul.f32 v30, v8;
	vm0 =	vlt.f32 v6, v23;
	v23 =	vmul.f32 v29, v4;
	v22 =	vld.idx.msk [tilespmem:v14+s22+$0x0], $0xffff  }
0x133: {  	v10 =	vmul.f32 v33, v5;
	v9 =	vmul.f32 v35, v7;
	v4 =	vmovc v20;
	v36 =	vsel vm0, $0xFFFFFFFF, v0;
	v29 =	vld.idx.msk [tilespmem:v38+s22+$0x0], $0xffff  }
0x134: {  	v11 =	vadd.f32 v11, v15;
	v30 =	vadd.s32 v36, v32;
	v15 =	vadd.f32 v21, v18;
	v20 =	vld.idx.msk [tilespmem:v25+s22+$0x0], $0xffff  }
0x135: {  	v8 =	vmovc v31;
	v5 =	vmovc v34;
	v7 =	vmov v37;
	v18 =	vadd.s32 $0x100, v30;
	v19 =	vadd.f32 v24, v19;
	v32 =	vld.idx.msk [tilespmem:v17+s22+$0x0], $0xffff  }
0x136: {  	v31 =	vld.idx.msk [tilespmem:v16+s22+$0x0], $0xffff;
	[tilespmem:s14+$0xFFFFFFC0] =	vst v11;
	v11 =	vadd.f32 v23, v26  }
0x137: {  	v23 =	vadd.s32 $0x200, v30;
	v24 =	vadd.f32 v27, v28;
	v21 =	vld.idx.msk [tilespmem:v13+s22+$0x0], $0xffff;
	[tilespmem:s14+$0xFFFFFFD0] =	vst v15  }
.Ltmp3:
0x138: {  	vm0 =	vlt.f32 v1, v22;
	v22 =	vld.idx.msk [tilespmem:v12+s22+$0x0], $0xffff;
	[tilespmem:s14+$0xFFFFFFE0] =	vst v19;
	(pc) =	sbr.rel @p0 .LBB2_5-.Ltmp3, $4  }
0x139: {  	v15 =	vsel vm0, $0xFFFFFFFF, v0;
	vm0 =	vlt.f32 v2, v29;
	[tilespmem:s14+$0xFFFFFFF0] =	vst v11;
	v11 =	vld.idx.msk [tilespmem:v42+s22+$0x0], $0xffff  }
0x13a: {  	v15 =	vadd.s32 v15, v14;
	v14 =	vsel vm0, $0xFFFFFFFF, v0;
	vm0 =	vlt.f32 v3, v20;
	v20 =	vld.idx.msk [tilespmem:v18+s22+$0x0], $0xffff;
	[tilespmem:s14+$0x0] =	vst v24  }
0x13b: {  	v18 =	vadd.s32 v14, v38;
	v19 =	vsel vm0, $0xFFFFFFFF, v0;
	vm0 =	vlt.f32 v4, v32;
	v14 =	vld.idx.msk [tilespmem:v40+s22+$0x0], $0xffff  }
0x13c: {  	s9 =	sadd.s32 $0x80, s9;
	v19 =	vadd.s32 v19, v25;
	v24 =	vsel vm0, $0xFFFFFFFF, v0;
	vm0 =	vlt.f32 v8, v31;
	v23 =	vld.idx.msk [tilespmem:v23+s22+$0x0], $0xffff  }
0x13d: {  	v25 =	vadd.s32 $0x100, v15  }
0x13e: {  	v26 =	vadd.s32 $0x100, v18  }
0x13f: {  	v50 =	vadd.s32 $0x100, v19  }
0x140: {  	v55 =	vadd.s32 $0x200, v15  }
0x141: {  	v56 =	vadd.s32 $0x200, v18  }
0x142: {  	v17 =	vadd.s32 v24, v17;
	v57 =	vadd.s32 $0x200, v19;
	v25 =	vld.idx.msk [tilespmem:v25+s22+$0x0], $0xffff  }
0x143: {  	v49 =	vsel vm0, $0xFFFFFFFF, v0;
	v52 =	vadd.s32 $0x100, v17;
	v26 =	vld.idx.msk [tilespmem:v26+s22+$0x0], $0xffff  }
0x144: {  	vm14 =	vlt.f32 v5, v21;
	v16 =	vadd.s32 v49, v16;
	v17 =	vadd.s32 $0x200, v17;
	v21 =	vld.idx.msk [tilespmem:v50+s22+$0x0], $0xffff  }
0x145: {  	vm15 =	vlt.f32 v7, v22;
	v51 =	vsel vm14, $0xFFFFFFFF, v0;
	v27 =	vadd.s32 $0x100, v16;
	v15 =	vld.idx.msk [tilespmem:v55+s22+$0x0], $0xffff  }
0x146: {  	v53 =	vsel vm15, $0xFFFFFFFF, v0;
	v13 =	vadd.s32 v51, v13;
	v16 =	vadd.s32 $0x200, v16;
	v18 =	vld.idx.msk [tilespmem:v56+s22+$0x0], $0xffff  }
0x147: {  	v12 =	vadd.s32 v53, v12;
	v54 =	vadd.s32 $0x100, v13;
	v19 =	vld.idx.msk [tilespmem:v57+s22+$0x0], $0xffff  }
0x148: {  	v28 =	vadd.s32 $0x100, v12;
	v22 =	vld.idx.msk [tilespmem:v52+s22+$0x0], $0xffff  }
0x149: {  	v13 =	vadd.s32 $0x200, v13;
	v58 =	vld.idx.msk [tilespmem:v17+s22+$0x0], $0xffff  }
0x14a: {  	v12 =	vadd.s32 $0x200, v12;
	v27 =	vld.idx.msk [tilespmem:v27+s22+$0x0], $0xffff  }
0x14b: {  	v10 =	vadd.f32 v10, v11;
	v6 =	vmul.f32 v20, v6;
	v60 =	vld.idx.msk [tilespmem:v16+s22+$0x0], $0xffff  }
0x14c: {  	v59 =	vadd.f32 v9, v14;
	v24 =	vld.idx.msk [tilespmem:v54+s22+$0x0], $0xffff;
	v1 =	vmul.f32 v25, v1  }
0x14d: {  	[tilespmem:s15+$0x10] =	vst v10;
	v6 =	vadd.f32 v6, v23;
	v28 =	vld.idx.msk [tilespmem:v28+s22+$0x0], $0xffff;
	v2 =	vmul.f32 v26, v2  }
0x14e: {  	s0 =	sadd.s32 $0x80, s14;
	[tilespmem:s15+$0x20] =	vst v59;
	v61 =	vld.idx.msk [tilespmem:v13+s22+$0x0], $0xffff;
	v3 =	vmul.f32 v21, v3;
	v1 =	vadd.f32 v1, v15  }
0x14f: {  	[tilespmem:s0+$0x30] =	vst v6;
	v62 =	vld.idx.msk [tilespmem:v12+s22+$0x0], $0xffff;
	v4 =	vmul.f32 v22, v4;
	v2 =	vadd.f32 v2, v18  }
0x150: {  	v8 =	vmul.f32 v27, v8;
	v3 =	vadd.f32 v3, v19;
	[tilespmem:s0+$0xFFFFFFC0] =	vst v1  }
0x151: {  	v4 =	vadd.f32 v4, v58;
	v1 =	vmul.f32 v24, v5;
	[tilespmem:s0+$0xFFFFFFD0] =	vst v2  }
0x152: {  	v2 =	vmul.f32 v28, v7;
	v63 =	vadd.f32 v8, v60;
	[tilespmem:s0+$0xFFFFFFE0] =	vst v3  }
0x153: {  	[tilespmem:s0+$0xFFFFFFF0] =	vst v4;
	v1 =	vadd.f32 v1, v61  }
0x154: {  	[tilespmem:s0+$0x0] =	vst v63;
	v2 =	vadd.f32 v2, v62  }
.Ltmp4:
0x155: {  	s7 =	sadd.s32 s4, s13;
	[tilespmem:s0+$0x10] =	vst v1;
	(pc) =	sbr.rel @p1 .LBB2_8-.Ltmp4, $4  }
0x156: {  	s16 =	sadd.s32 s4, s11;
	s15 =	sadd.s32 s12, s7;
	[tilespmem:s0+$0x20] =	vst v2  }
0x157: {  	[hbm4b:s15+s17] =	stream.strided.scatter [tilespmem:s31], [sflag:$0x4], $0x2000, s18, s17, $0x38;
	[tilespmem:$0x10C00] =	vst v63  }
0x158: {  	s0 =	sadd.s32 s12, s16  }
0x159: {  	[hbm4b:s0+s17] =	stream.strided.scatter [tilespmem:s2], [sflag:$0x4], $0x2000, s18, s17, $0x38;
	[tilespmem:$0x10C00] =	vst v63  }
0x15a: {  	s0 =	sadd.s32 $0x6, s10  }
0x15b: {  	s7 =	sadd.s32 s5, s0  }
0x15c: {  	s7 =	sshrl.u32 s7, $0x3  }
0x15d: {  	s0 =	sshll.u32 s0, $0x7;
	s9 =	smul.u32 $0x1800, s7  }
0x15e: {  	s0 =	sand.u32 $0x300, s0  }
0x15f: {  	s15 =	sor.u32 s0, s9  }
0x160: {  	s7 =	sshll.u32 s7, $0x10;
	s10 =	sshrl.u32 s15, $0x3  }
0x161: {  	s16 =	sor.u32 s0, s7;
	s10 =	sadd.s32 s1, s10  }
0x162: {  	[tilespmem:s22], [sflag:$0x2] =	stream.strided.gather [hbm4b:s10+s17], $0x300, s18, s17, $0x38;
	[tilespmem:$0x10C00] =	vst v63  }
0x163: {  	s0 =	sor.u32 $0x80, s0;
	s10 =	sshrl.u32 s16, $0x3  }
0x164: {  	s9 =	sor.u32 s0, s9;
	s10 =	sadd.s32 s3, s10  }
0x165: {  	[tilespmem:s23], [sflag:$0x2] =	stream.strided.gather [hbm4b:s10+s17], $0x2000, s18, s17, $0x38;
	[tilespmem:$0x10C00] =	vst v63  }
.Ltmp5:
0x166: {  	s0 =	sor.u32 s0, s7;
	s9 =	sshrl.u32 s9, $0x3;
	(pc) =	sbr.rel .LBB2_2-.Ltmp5, $4  }
0x167: {  	s0 =	sshrl.u32 s0, $0x3;
	s9 =	sadd.s32 s1, s9  }
0x168: {  	[tilespmem:s24], [sflag:$0x2] =	stream.strided.gather [hbm4b:s9+s17], $0x300, s18, s17, $0x38;
	[tilespmem:$0x10C00] =	vst v63  }
0x169: {  	s21 =	sadd.s32 $0x1, s21;
	s0 =	sadd.s32 s3, s0  }
0x16a: {  	[tilespmem:s25], [sflag:$0x2] =	stream.strided.gather [hbm4b:s0+s17], $0x2000, s18, s17, $0x38;
	[tilespmem:$0x10C00] =	vst v63  }
.LBB2_9:
0x16b: {  	_ =	sfence.sel $0x180000  }
0x16c: {  	[bflag:$0x0] =	sbarrier.arrive $0xFFFF  }
0x16d: {  	_ =	strace $0x90000047  }
0x16e: {  	s0 =	stileid.u32;
	[bflag:$0x2] =	sbarrier.arrive $0xFFFF  }
0x16f: {  	p0 =	sne.s32 s0, $0x0;
	s0 =	rddreg [dreg:$0x3]  }
0x170: {  	s0 =	sadd.s32 @!p0 $0x100000, s0  }
0x171: {  	[sflag:s0] =	ssyncadd.tile.s32 @!p0 $0x1;
	_ =	shalt  }
.Lfunc_end2:
_tile_overlayer_lowered:
.L_overlay_start_2:
0x172: {  	(tag) =	ssettag $0x2  }
0x173: {  	s0 =	rddreg [dreg:$0x0];
	s2 =	stileid.u32  }
0x174: {  	s1 =	rddreg [dreg:$0x1];
	p0 =	sne.s32 s2, $0x0  }
0x175: {  	s3 =	rddreg [dreg:$0x2];
	[bflag:$0x3] =	sbarrier.arrive $0xFFFF;
	s2 =	simm.s32 @!p0 $0x1C05  }
0x176: {  	[timem:s3], [sflag:s2] =	dma.local @!p0 [hbm:s0], s1  }
0x177: {  	s0 =	simm.s32 @!p0 $0x5  }
0x178: {  	_ =	swait.ge @!p0 [sflag:s0], s1  }
0x179: {  	s1 =	ssub.s32 @!p0 $0x0, s1;
	[sflag:s0] =	ssyncset.done @!p0 $0x0  }
0x17a: {  	[sflag:s0] =	ssyncadd.s32 @!p0 s1  }
0x17b: {  	[bflag:$0x3] =	sbarrier.arrive $0xFFFF  }
0x17c: {  	_ =	shalt  }

</sc_bundles>
